<compile_context>
chip_gen: v7x
topology: tpu7x:2x2x1
jax: 0.10.2.dev20260603
libtpu: 0.0.44.dev20260713+nightly
codegen_flags: <defaults>
</compile_context>

<pallas_src>
import functools
import jax
import jax.numpy as jnp
from jax import lax
from jax.experimental import pallas as pl
from jax.experimental.pallas import tpu as pltpu
from jax.experimental.pallas import tpu_sc as plsc

_B = 1024
_V = 200
_U1 = 101
_LANES = 16
_NCH = 7
_UP = _NCH * _LANES
_NW = 32
_BPW = _B // _NW


def _tec_kernel(w_hbm, g_hbm, t_hbm, ltab_hbm, sizes_hbm, seq_hbm,
                w_a, g_a, w_b, g_b, t_v, ltab_v, sizes_v, seq_v,
                sem_wa, sem_ga, sem_wb, sem_gb):
    cid = lax.axis_index("c")
    sid = lax.axis_index("s")
    wid = sid * 2 + cid
    base = wid * _BPW

    pltpu.sync_copy(t_hbm.at[pl.ds(base, _BPW)], t_v)
    pltpu.sync_copy(ltab_hbm, ltab_v)

    iota = lax.iota(jnp.int32, _LANES)
    lane0 = iota == 0
    perms = [(iota ^ s)[:, None] for s in (8, 4, 2, 1)]
    dnums = lax.GatherDimensionNumbers(
        offset_dims=(), collapsed_slice_dims=(0,), start_index_map=(0,))

    def shuf(x, p):
        return lax.gather(x, p, dnums, slice_sizes=(1,),
                          mode=lax.GatherScatterMode.PROMISE_IN_BOUNDS)
    zero_i = jnp.zeros((_LANES,), jnp.int32)
    zero_f = jnp.zeros((_LANES,), jnp.float32)
    one_i = jnp.ones((_LANES,), jnp.int32)
    neg_big = jnp.full((_LANES,), -1e30, jnp.float32)

    def start(b, w_buf, g_buf, sem_w, sem_g):
        pltpu.make_async_copy(w_hbm.at[b], w_buf, sem_w).start()
        pltpu.make_async_copy(g_hbm.at[b], g_buf, sem_g).start()

    def wait(b, w_buf, g_buf, sem_w, sem_g):
        pltpu.make_async_copy(w_hbm.at[b], w_buf, sem_w).wait()
        pltpu.make_async_copy(g_hbm.at[b], g_buf, sem_g).wait()

    def process(bl, w_v, g_v):
        t_b = plsc.load_gather(t_v, [jnp.full((_LANES,), bl, jnp.int32)])

        def v_body(v, carry):
            size_vec = carry[0]
            matched = carry[1:]
            off = v * _UP
            g_ch = []
            cand = []
            gc = []
            for i in range(_NCH):
                w_i = w_v[pl.ds(off + i * _LANES, _LANES)]
                g_i = g_v[pl.ds(off + i * _LANES, _LANES)]
                c_i = (w_i >= t_b) & (matched[i] == 0)
                g_ch.append(g_i)
                cand.append(c_i)
                gc.append(jnp.where(c_i, g_i, neg_big))

            kv = plsc.all_reduce_population_count(cand[0])
            for i in range(1, _NCH):
                kv = kv + plsc.all_reduce_population_count(cand[i])
            l_k = plsc.load_gather(ltab_v, [kv])

            m01 = jnp.maximum(gc[0], gc[1])
            m23 = jnp.maximum(gc[2], gc[3])
            m45 = jnp.maximum(gc[4], gc[5])
            m = jnp.maximum(jnp.maximum(m01, m23), jnp.maximum(m45, gc[6]))
            for p in perms:
                m = jnp.maximum(m, shuf(m, p))
            big_m = m + l_k

            vals = [jnp.where(cand[i], g_ch[i] + l_k, neg_big)
                    for i in range(_NCH)]
            idxs = [jnp.where(vals[i] == big_m, iota + i * _LANES,
                              jnp.full((_LANES,), 10000, jnp.int32))
                    for i in range(_NCH)]
            i01 = jnp.minimum(idxs[0], idxs[1])
            i23 = jnp.minimum(idxs[2], idxs[3])
            i45 = jnp.minimum(idxs[4], idxs[5])
            sel = jnp.minimum(jnp.minimum(i01, i23),
                              jnp.minimum(i45, idxs[6]))
            for p in perms:
                sel = jnp.minimum(sel, shuf(sel, p))

            w_sel = plsc.load_gather(w_v, [off + sel])
            size_vec = size_vec + w_sel

            take = sel > 0
            new_matched = tuple(
                jnp.where((iota + i * _LANES == sel) & take, one_i, matched[i])
                for i in range(_NCH))
            plsc.store_scatter(seq_v, [jnp.full((_LANES,), v, jnp.int32)],
                               sel, mask=lane0)
            return (size_vec,) + new_matched

        init = (zero_f,) + tuple(zero_i for _ in range(_NCH))
        final = lax.fori_loop(0, _V, v_body, init)
        plsc.store_scatter(sizes_v, [jnp.full((_LANES,), bl, jnp.int32)],
                           final[0], mask=lane0)

    start(base, w_a, g_a, sem_wa, sem_ga)

    def b_body(j, _):
        b0 = base + 2 * j
        b1 = b0 + 1
        b2 = jnp.minimum(b0 + 2, _B - 1)
        wait(b0, w_a, g_a, sem_wa, sem_ga)
        start(b1, w_b, g_b, sem_wb, sem_gb)
        process(2 * j, w_a, g_a)
        pltpu.sync_copy(seq_v, seq_hbm.at[b0])
        wait(b1, w_b, g_b, sem_wb, sem_gb)
        start(b2, w_a, g_a, sem_wa, sem_ga)
        process(2 * j + 1, w_b, g_b)
        pltpu.sync_copy(seq_v, seq_hbm.at[b1])
        return 0

    lax.fori_loop(0, _BPW // 2, b_body, 0)
    wait(_B - 1, w_a, g_a, sem_wa, sem_ga)
    pltpu.sync_copy(sizes_v, sizes_hbm.at[pl.ds(base, _BPW)])


@jax.jit
def _run(w2, g2, t1, ltab):
    mesh = plsc.VectorSubcoreMesh(core_axis_name="c", subcore_axis_name="s",
                                  num_cores=2, num_subcores=16)
    f = pl.kernel(
        _tec_kernel,
        out_type=[
            jax.ShapeDtypeStruct((_B,), jnp.float32),
            jax.ShapeDtypeStruct((_B, _V), jnp.int32),
        ],
        mesh=mesh,
        compiler_params=pltpu.CompilerParams(needs_layout_passes=False),
        scratch_types=[
            pltpu.VMEM((_V * _UP,), jnp.float32),
            pltpu.VMEM((_V * _UP,), jnp.float32),
            pltpu.VMEM((_V * _UP,), jnp.float32),
            pltpu.VMEM((_V * _UP,), jnp.float32),
            pltpu.VMEM((_BPW,), jnp.float32),
            pltpu.VMEM((104,), jnp.float32),
            pltpu.VMEM((_BPW,), jnp.float32),
            pltpu.VMEM((_V,), jnp.int32),
            pltpu.SemaphoreType.DMA,
            pltpu.SemaphoreType.DMA,
            pltpu.SemaphoreType.DMA,
            pltpu.SemaphoreType.DMA,
        ],
    )
    return f(w2, g2, t1, ltab)


def kernel(weights, t):
    B, V, U1 = weights.shape
    sample_key = jax.random.key(42)
    keys = jax.vmap(lambda v: jax.random.fold_in(sample_key, v))(jnp.arange(V))
    gum = jax.vmap(lambda k: jax.random.gumbel(k, (B, U1), jnp.float32))(keys)
    gum = jnp.transpose(gum, (1, 0, 2))
    w_pad = jnp.pad(weights, ((0, 0), (0, 0), (0, _UP - U1)))
    g_pad = jnp.pad(gum, ((0, 0), (0, 0), (0, _UP - U1)))
    w2 = w_pad.reshape(B, V * _UP)
    g2 = g_pad.reshape(B, V * _UP)
    counts = jnp.arange(104, dtype=jnp.float32).at[0].set(1.0)
    ltab = jnp.log(1.0 / counts)
    sizes, seq = _run(w2, g2, t.reshape(B), ltab)
    return (-sizes / V, seq.reshape(B, V, 1))

# --- scband reference (transcript-rebuilt; emitter-appended) ---
"""Pipeline reference for scband-greedy-rt-2491081032185 (READ-ONLY COPY).

The authoritative reference and input builder live on the scoring server;
editing this copy changes nothing except your own understanding.
"""

import jax, jax.numpy as jnp
import numpy as np

BATCH = 1024
U_SIZE = 100
V_SIZE = 200
MAX_WEIGHT = 100


def setup_inputs(seed: int = 0) -> dict:
    key = jax.random.key(seed)
    k1, k2, k3 = jax.random.split(key, 3)
    # edge weights for each arriving v-node against u_size offline nodes; column 0 is the 'skip' option (weight 0)
    weights = jax.random.uniform(k1, (BATCH, V_SIZE, U_SIZE + 1), dtype=jnp.float32) * MAX_WEIGHT
    weights = weights.at[:, :, 0].set(0.0)
    # random bipartite adjacency: non-adjacent edges have weight 0 (equivalent to being masked)
    adj = jax.random.bernoulli(k2, 0.5, (BATCH, V_SIZE, U_SIZE + 1)).astype(jnp.float32)
    adj = adj.at[:, :, 0].set(1.0)
    weights = weights * adj
    # threshold t = e ** randint(1, ceil(log(1 + max_weight))) per batch element, as in the torch forward
    hi = int(np.ceil(np.log(1 + MAX_WEIGHT)))
    t_exp = jax.random.randint(k3, (BATCH, 1), 1, hi)
    t = jnp.exp(t_exp.astype(jnp.float32))
    return {"weights": weights, "t": t}


def reference(weights, t):
    B, V, U1 = weights.shape
    sample_key = jax.random.key(42)
    w_seq = jnp.transpose(weights, (1, 0, 2))  # [V, B, U1]

    def step(carry, xs):
        matched, size = carry
        w_row, v = xs
        # mask already-matched u nodes (skip column 0 is never matched)
        w = jnp.where(matched, 0.0, w_row)
        # threshold at t: w >= t -> 1 else 0
        sel_w = jnp.where(w >= t, 1.0, 0.0)
        row_sum = jnp.sum(sel_w, axis=1)
        # if no candidate survives, force the skip option
        sel_w = sel_w.at[:, 0].set(jnp.where(row_sum == 0, 1.0, sel_w[:, 0]))
        probs = sel_w / jnp.sum(sel_w, axis=1, keepdims=True)
        logits = jnp.log(jnp.clip(probs, 1e-30, None))
        sel = jax.random.categorical(jax.random.fold_in(sample_key, v),
                                     jax.lax.stop_gradient(logits), axis=-1)  # [B]
        w_sel = jnp.take_along_axis(w, sel[:, None], axis=1)[:, 0]
        size = size + w_sel
        new_match = jax.nn.one_hot(sel, U1, dtype=jnp.bool_) & (sel[:, None] > 0)
        matched = matched | new_match
        return (matched, size), sel[:, None]

    init = (jnp.zeros((B, U1), dtype=jnp.bool_), jnp.zeros((B,), dtype=jnp.float32))
    (matched, size), seq = jax.lax.scan(step, init, (w_seq, jnp.arange(V)))
    sequences = jnp.transpose(seq, (1, 0, 2))  # [B, V, 1]
    return (-size / V, sequences)

if __name__ == "__main__":
    import jax
    _d = setup_inputs()
    print(jax.jit(kernel)(*tuple(_d.values())))

</pallas_src>

<mosaic_0001>
#map = affine_map<(d0, d1) -> (0, 0)>
#map1 = affine_map<(d0, d1) -> (0)>
module attributes {stable_mosaic.version = 14 : i64} {
  func.func @_tec_kernel(%arg0: i32, %arg1: i32, %arg2: memref<1024x22400xf32, #tpu.memory_space<hbm>>, %arg3: memref<1024x22400xf32, #tpu.memory_space<hbm>>, %arg4: memref<1024xf32, #tpu.memory_space<hbm>>, %arg5: memref<104xf32, #tpu.memory_space<hbm>>, %arg6: memref<1024xf32, #tpu.memory_space<hbm>>, %arg7: memref<1024x200xi32, #tpu.memory_space<hbm>>, %arg8: memref<22400xf32, #tpu.memory_space<vmem>>, %arg9: memref<22400xf32, #tpu.memory_space<vmem>>, %arg10: memref<22400xf32, #tpu.memory_space<vmem>>, %arg11: memref<22400xf32, #tpu.memory_space<vmem>>, %arg12: memref<32xf32, #tpu.memory_space<vmem>>, %arg13: memref<104xf32, #tpu.memory_space<vmem>>, %arg14: memref<32xf32, #tpu.memory_space<vmem>>, %arg15: memref<200xi32, #tpu.memory_space<vmem>>, %arg16: memref<!tpu.dma_semaphore, #tpu.memory_space<semaphore_mem>>, %arg17: memref<!tpu.dma_semaphore, #tpu.memory_space<semaphore_mem>>, %arg18: memref<!tpu.dma_semaphore, #tpu.memory_space<semaphore_mem>>, %arg19: memref<!tpu.dma_semaphore, #tpu.memory_space<semaphore_mem>>) attributes {dimension_semantics = [#tpu.dimension_semantics<core_parallel>, #tpu.dimension_semantics<subcore_parallel>], iteration_bounds = array<i64: 2, 16>, scalar_prefetch = 0 : i64, scratch_operands = 12 : i64, tpu.core_type = #tpu.core_type<sc_vector_subcore>, window_params = [{transform_indices = #map}, {transform_indices = #map}, {transform_indices = #map1}, {transform_indices = #map1}, {transform_indices = #map1}, {transform_indices = #map}]} {
    %mul3A = arith.constant 2 : i32
    %mul3A_0 = arith.muli %arg1, %mul3A : i32
    %add3A = arith.addi %mul3A_0, %arg0 : i32
    %mul3A_1 = arith.constant 32 : i32
    %mul3A_2 = arith.muli %add3A, %mul3A_1 : i32
    "tpu.region"() ({
      %run_scoped3A = tpu.sem_alloc : memref<!tpu.dma_semaphore, #tpu.memory_space<semaphore_mem>>
      %dma_start3A_57 = tpu.memref_slice %arg4[%mul3A_2] : memref<1024xf32, #tpu.memory_space<hbm>> -> memref<32xf32, #tpu.memory_space<hbm>>
      %dma_start3A_58 = tpu.memref_slice %arg4[%mul3A_2] : memref<1024xf32, #tpu.memory_space<hbm>> -> memref<32xf32, #tpu.memory_space<hbm>>
      tpu.enqueue_dma source(%dma_start3A_58 : memref<32xf32, #tpu.memory_space<hbm>>) target(%arg12 : memref<32xf32, #tpu.memory_space<vmem>>) target_semaphore(%run_scoped3A : memref<!tpu.dma_semaphore, #tpu.memory_space<semaphore_mem>>)
      %dma_wait3A_59 = tpu.memref_slice %arg4[%mul3A_2] : memref<1024xf32, #tpu.memory_space<hbm>> -> memref<32xf32, #tpu.memory_space<hbm>>
      %dma_wait3A_60 = tpu.memref_slice %arg4[%mul3A_2] : memref<1024xf32, #tpu.memory_space<hbm>> -> memref<32xf32, #tpu.memory_space<hbm>>
      tpu.wait_dma2 semaphore(%run_scoped3A : memref<!tpu.dma_semaphore, #tpu.memory_space<semaphore_mem>>) src(%dma_wait3A_60 : memref<32xf32, #tpu.memory_space<hbm>>) dst(%arg12 : memref<32xf32, #tpu.memory_space<vmem>>)
      tpu.yield
    }) : () -> ()
    "tpu.region"() ({
      %run_scoped3A = tpu.sem_alloc : memref<!tpu.dma_semaphore, #tpu.memory_space<semaphore_mem>>
      tpu.enqueue_dma source(%arg5 : memref<104xf32, #tpu.memory_space<hbm>>) target(%arg13 : memref<104xf32, #tpu.memory_space<vmem>>) target_semaphore(%run_scoped3A : memref<!tpu.dma_semaphore, #tpu.memory_space<semaphore_mem>>)
      tpu.wait_dma2 semaphore(%run_scoped3A : memref<!tpu.dma_semaphore, #tpu.memory_space<semaphore_mem>>) src(%arg5 : memref<104xf32, #tpu.memory_space<hbm>>) dst(%arg13 : memref<104xf32, #tpu.memory_space<vmem>>)
      tpu.yield
    }) : () -> ()
    %iota3A = tpu.iota {dimensions = array<i32: 0>} : vector<16xi32>
    %eq3A = arith.constant 0 : i32
    %eq3A_3 = vector.broadcast %eq3A : i32 to vector<16xi32>
    %eq3A_4 = arith.cmpi eq, %iota3A, %eq3A_3 : vector<16xi32>
    %xor3A = arith.constant 8 : i32
    %xor3A_5 = vector.broadcast %xor3A : i32 to vector<16xi32>
    %xor3A_6 = arith.xori %iota3A, %xor3A_5 : vector<16xi32>
    %broadcast_in_dim3A = vector.shape_cast %xor3A_6 : vector<16xi32> to vector<16x1xi32>
    %xor3A_7 = arith.constant 4 : i32
    %xor3A_8 = vector.broadcast %xor3A_7 : i32 to vector<16xi32>
    %xor3A_9 = arith.xori %iota3A, %xor3A_8 : vector<16xi32>
    %broadcast_in_dim3A_10 = vector.shape_cast %xor3A_9 : vector<16xi32> to vector<16x1xi32>
    %xor3A_11 = arith.constant 2 : i32
    %xor3A_12 = vector.broadcast %xor3A_11 : i32 to vector<16xi32>
    %xor3A_13 = arith.xori %iota3A, %xor3A_12 : vector<16xi32>
    %broadcast_in_dim3A_14 = vector.shape_cast %xor3A_13 : vector<16xi32> to vector<16x1xi32>
    %xor3A_15 = arith.constant 1 : i32
    %xor3A_16 = vector.broadcast %xor3A_15 : i32 to vector<16xi32>
    %xor3A_17 = arith.xori %iota3A, %xor3A_16 : vector<16xi32>
    %broadcast_in_dim3A_18 = vector.shape_cast %xor3A_17 : vector<16xi32> to vector<16x1xi32>
    %broadcast_in_dim3A_19 = arith.constant 0 : i32
    %broadcast_in_dim3A_20 = vector.broadcast %broadcast_in_dim3A_19 : i32 to vector<16xi32>
    %broadcast_in_dim3A_21 = arith.constant 0.000000e+00 : f32
    %broadcast_in_dim3A_22 = vector.broadcast %broadcast_in_dim3A_21 : f32 to vector<16xf32>
    %broadcast_in_dim3A_23 = arith.constant 1 : i32
    %broadcast_in_dim3A_24 = vector.broadcast %broadcast_in_dim3A_23 : i32 to vector<16xi32>
    %broadcast_in_dim3A_25 = arith.constant -1.000000e+30 : f32
    %broadcast_in_dim3A_26 = vector.broadcast %broadcast_in_dim3A_25 : f32 to vector<16xf32>
    %dma_start3A = arith.constant 0 : i32
    %dma_start3A_27 = tpu.memref_slice %arg2[%mul3A_2, %dma_start3A] : memref<1024x22400xf32, #tpu.memory_space<hbm>> -> memref<1x22400xf32, #tpu.memory_space<hbm>>
    %dma_start3A_28 = tpu.memref_squeeze %dma_start3A_27 : memref<1x22400xf32, #tpu.memory_space<hbm>> -> memref<22400xf32, #tpu.memory_space<hbm>>
    %dma_start3A_29 = arith.constant 0 : i32
    %dma_start3A_30 = tpu.memref_slice %arg2[%mul3A_2, %dma_start3A_29] : memref<1024x22400xf32, #tpu.memory_space<hbm>> -> memref<1x22400xf32, #tpu.memory_space<hbm>>
    %dma_start3A_31 = tpu.memref_squeeze %dma_start3A_30 : memref<1x22400xf32, #tpu.memory_space<hbm>> -> memref<22400xf32, #tpu.memory_space<hbm>>
    tpu.enqueue_dma source(%dma_start3A_31 : memref<22400xf32, #tpu.memory_space<hbm>>) target(%arg8 : memref<22400xf32, #tpu.memory_space<vmem>>) target_semaphore(%arg16 : memref<!tpu.dma_semaphore, #tpu.memory_space<semaphore_mem>>)
    %dma_start3A_32 = arith.constant 0 : i32
    %dma_start3A_33 = tpu.memref_slice %arg3[%mul3A_2, %dma_start3A_32] : memref<1024x22400xf32, #tpu.memory_space<hbm>> -> memref<1x22400xf32, #tpu.memory_space<hbm>>
    %dma_start3A_34 = tpu.memref_squeeze %dma_start3A_33 : memref<1x22400xf32, #tpu.memory_space<hbm>> -> memref<22400xf32, #tpu.memory_space<hbm>>
    %dma_start3A_35 = arith.constant 0 : i32
    %dma_start3A_36 = tpu.memref_slice %arg3[%mul3A_2, %dma_start3A_35] : memref<1024x22400xf32, #tpu.memory_space<hbm>> -> memref<1x22400xf32, #tpu.memory_space<hbm>>
    %dma_start3A_37 = tpu.memref_squeeze %dma_start3A_36 : memref<1x22400xf32, #tpu.memory_space<hbm>> -> memref<22400xf32, #tpu.memory_space<hbm>>
    tpu.enqueue_dma source(%dma_start3A_37 : memref<22400xf32, #tpu.memory_space<hbm>>) target(%arg9 : memref<22400xf32, #tpu.memory_space<vmem>>) target_semaphore(%arg17 : memref<!tpu.dma_semaphore, #tpu.memory_space<semaphore_mem>>)
    %scan3A = arith.constant 0 : i32
    %scan3A_38 = arith.constant 0 : i32
    %scan3A_39 = arith.constant 16 : i32
    %scan3A_40 = arith.addi %scan3A_38, %scan3A_39 : i32
    %scan3A_41 = arith.constant 1 : i32
    %scan3A_42 = scf.for %scan3A_57 = %scan3A_38 to %scan3A_40 step %scan3A_41 iter_args(%scan3A_58 = %scan3A) -> (i32)  : i32 {
      %mul3A_59 = arith.constant 2 : i32
      %mul3A_60 = arith.muli %mul3A_59, %scan3A_57 : i32
      %add3A_61 = arith.addi %mul3A_2, %mul3A_60 : i32
      %add3A_62 = arith.constant 1 : i32
      %add3A_63 = arith.addi %add3A_61, %add3A_62 : i32
      %add3A_64 = arith.constant 2 : i32
      %add3A_65 = arith.addi %add3A_61, %add3A_64 : i32
      %min3A = arith.constant 1023 : i32
      %min3A_66 = arith.minsi %add3A_65, %min3A : i32
      %dma_wait3A_67 = arith.constant 0 : i32
      %dma_wait3A_68 = tpu.memref_slice %arg2[%add3A_61, %dma_wait3A_67] : memref<1024x22400xf32, #tpu.memory_space<hbm>> -> memref<1x22400xf32, #tpu.memory_space<hbm>>
      %dma_wait3A_69 = tpu.memref_squeeze %dma_wait3A_68 : memref<1x22400xf32, #tpu.memory_space<hbm>> -> memref<22400xf32, #tpu.memory_space<hbm>>
      %dma_wait3A_70 = arith.constant 0 : i32
      %dma_wait3A_71 = tpu.memref_slice %arg2[%add3A_61, %dma_wait3A_70] : memref<1024x22400xf32, #tpu.memory_space<hbm>> -> memref<1x22400xf32, #tpu.memory_space<hbm>>
      %dma_wait3A_72 = tpu.memref_squeeze %dma_wait3A_71 : memref<1x22400xf32, #tpu.memory_space<hbm>> -> memref<22400xf32, #tpu.memory_space<hbm>>
      tpu.wait_dma2 semaphore(%arg16 : memref<!tpu.dma_semaphore, #tpu.memory_space<semaphore_mem>>) src(%dma_wait3A_72 : memref<22400xf32, #tpu.memory_space<hbm>>) dst(%arg8 : memref<22400xf32, #tpu.memory_space<vmem>>)
      %dma_wait3A_73 = arith.constant 0 : i32
      %dma_wait3A_74 = tpu.memref_slice %arg3[%add3A_61, %dma_wait3A_73] : memref<1024x22400xf32, #tpu.memory_space<hbm>> -> memref<1x22400xf32, #tpu.memory_space<hbm>>
      %dma_wait3A_75 = tpu.memref_squeeze %dma_wait3A_74 : memref<1x22400xf32, #tpu.memory_space<hbm>> -> memref<22400xf32, #tpu.memory_space<hbm>>
      %dma_wait3A_76 = arith.constant 0 : i32
      %dma_wait3A_77 = tpu.memref_slice %arg3[%add3A_61, %dma_wait3A_76] : memref<1024x22400xf32, #tpu.memory_space<hbm>> -> memref<1x22400xf32, #tpu.memory_space<hbm>>
      %dma_wait3A_78 = tpu.memref_squeeze %dma_wait3A_77 : memref<1x22400xf32, #tpu.memory_space<hbm>> -> memref<22400xf32, #tpu.memory_space<hbm>>
      tpu.wait_dma2 semaphore(%arg17 : memref<!tpu.dma_semaphore, #tpu.memory_space<semaphore_mem>>) src(%dma_wait3A_78 : memref<22400xf32, #tpu.memory_space<hbm>>) dst(%arg9 : memref<22400xf32, #tpu.memory_space<vmem>>)
      %dma_start3A_79 = arith.constant 0 : i32
      %dma_start3A_80 = tpu.memref_slice %arg2[%add3A_63, %dma_start3A_79] : memref<1024x22400xf32, #tpu.memory_space<hbm>> -> memref<1x22400xf32, #tpu.memory_space<hbm>>
      %dma_start3A_81 = tpu.memref_squeeze %dma_start3A_80 : memref<1x22400xf32, #tpu.memory_space<hbm>> -> memref<22400xf32, #tpu.memory_space<hbm>>
      %dma_start3A_82 = arith.constant 0 : i32
      %dma_start3A_83 = tpu.memref_slice %arg2[%add3A_63, %dma_start3A_82] : memref<1024x22400xf32, #tpu.memory_space<hbm>> -> memref<1x22400xf32, #tpu.memory_space<hbm>>
      %dma_start3A_84 = tpu.memref_squeeze %dma_start3A_83 : memref<1x22400xf32, #tpu.memory_space<hbm>> -> memref<22400xf32, #tpu.memory_space<hbm>>
      tpu.enqueue_dma source(%dma_start3A_84 : memref<22400xf32, #tpu.memory_space<hbm>>) target(%arg10 : memref<22400xf32, #tpu.memory_space<vmem>>) target_semaphore(%arg18 : memref<!tpu.dma_semaphore, #tpu.memory_space<semaphore_mem>>)
      %dma_start3A_85 = arith.constant 0 : i32
      %dma_start3A_86 = tpu.memref_slice %arg3[%add3A_63, %dma_start3A_85] : memref<1024x22400xf32, #tpu.memory_space<hbm>> -> memref<1x22400xf32, #tpu.memory_space<hbm>>
      %dma_start3A_87 = tpu.memref_squeeze %dma_start3A_86 : memref<1x22400xf32, #tpu.memory_space<hbm>> -> memref<22400xf32, #tpu.memory_space<hbm>>
      %dma_start3A_88 = arith.constant 0 : i32
      %dma_start3A_89 = tpu.memref_slice %arg3[%add3A_63, %dma_start3A_88] : memref<1024x22400xf32, #tpu.memory_space<hbm>> -> memref<1x22400xf32, #tpu.memory_space<hbm>>
      %dma_start3A_90 = tpu.memref_squeeze %dma_start3A_89 : memref<1x22400xf32, #tpu.memory_space<hbm>> -> memref<22400xf32, #tpu.memory_space<hbm>>
      tpu.enqueue_dma source(%dma_start3A_90 : memref<22400xf32, #tpu.memory_space<hbm>>) target(%arg11 : memref<22400xf32, #tpu.memory_space<vmem>>) target_semaphore(%arg19 : memref<!tpu.dma_semaphore, #tpu.memory_space<semaphore_mem>>)
      %mul3A_91 = arith.constant 2 : i32
      %mul3A_92 = arith.muli %mul3A_91, %scan3A_57 : i32
      %broadcast_in_dim3A_93 = vector.broadcast %mul3A_92 : i32 to vector<16xi32>
      %gather3A = tpu.vector_load_idx %arg12[%broadcast_in_dim3A_93] : memref<32xf32, #tpu.memory_space<vmem>>[vector<16xi32>], vector<16xf32>,
      %scan3A_94 = arith.constant 0 : i32
      %scan3A_95 = arith.constant 200 : i32
      %scan3A_96 = arith.addi %scan3A_94, %scan3A_95 : i32
      %scan3A_97 = arith.constant 1 : i32
      %scan3A_98:8 = scf.for %scan3A_139 = %scan3A_94 to %scan3A_96 step %scan3A_97 iter_args(%scan3A_140 = %broadcast_in_dim3A_22, %scan3A_141 = %broadcast_in_dim3A_20, %scan3A_142 = %broadcast_in_dim3A_20, %scan3A_143 = %broadcast_in_dim3A_20, %scan3A_144 = %broadcast_in_dim3A_20, %scan3A_145 = %broadcast_in_dim3A_20, %scan3A_146 = %broadcast_in_dim3A_20, %scan3A_147 = %broadcast_in_dim3A_20) -> (vector<16xf32>, vector<16xi32>, vector<16xi32>, vector<16xi32>, vector<16xi32>, vector<16xi32>, vector<16xi32>, vector<16xi32>)  : i32 {
        %mul3A_148 = arith.constant 112 : i32
        %mul3A_149 = arith.muli %scan3A_139, %mul3A_148 : i32
        %add3A_150 = arith.constant 0 : i32
        %add3A_151 = arith.addi %mul3A_149, %add3A_150 : i32
        %get3A = arith.index_cast %add3A_151 : i32 to index
        %get3A_152 = tpu.vector_load %arg8[%get3A] {strides = array<i32>} : memref<22400xf32, #tpu.memory_space<vmem>>, vector<16xf32>,
        %add3A_153 = arith.constant 0 : i32
        %add3A_154 = arith.addi %mul3A_149, %add3A_153 : i32
        %get3A_155 = arith.index_cast %add3A_154 : i32 to index
        %get3A_156 = tpu.vector_load %arg9[%get3A_155] {strides = array<i32>} : memref<22400xf32, #tpu.memory_space<vmem>>, vector<16xf32>,
        %ge3A = arith.cmpf oge, %get3A_152, %gather3A : vector<16xf32>
        %eq3A_157 = arith.constant 0 : i32
        %eq3A_158 = vector.broadcast %eq3A_157 : i32 to vector<16xi32>
        %eq3A_159 = arith.cmpi eq, %scan3A_141, %eq3A_158 : vector<16xi32>
        %and3A = arith.andi %ge3A, %eq3A_159 : vector<16xi1>
        %select_n3A = arith.select %and3A, %get3A_156, %broadcast_in_dim3A_26 : vector<16xi1>, vector<16xf32>
        %add3A_160 = arith.constant 16 : i32
        %add3A_161 = arith.addi %mul3A_149, %add3A_160 : i32
        %get3A_162 = arith.index_cast %add3A_161 : i32 to index
        %get3A_163 = tpu.vector_load %arg8[%get3A_162] {strides = array<i32>} : memref<22400xf32, #tpu.memory_space<vmem>>, vector<16xf32>,
        %add3A_164 = arith.constant 16 : i32
        %add3A_165 = arith.addi %mul3A_149, %add3A_164 : i32
        %get3A_166 = arith.index_cast %add3A_165 : i32 to index
        %get3A_167 = tpu.vector_load %arg9[%get3A_166] {strides = array<i32>} : memref<22400xf32, #tpu.memory_space<vmem>>, vector<16xf32>,
        %ge3A_168 = arith.cmpf oge, %get3A_163, %gather3A : vector<16xf32>
        %eq3A_169 = arith.constant 0 : i32
        %eq3A_170 = vector.broadcast %eq3A_169 : i32 to vector<16xi32>
        %eq3A_171 = arith.cmpi eq, %scan3A_142, %eq3A_170 : vector<16xi32>
        %and3A_172 = arith.andi %ge3A_168, %eq3A_171 : vector<16xi1>
        %select_n3A_173 = arith.select %and3A_172, %get3A_167, %broadcast_in_dim3A_26 : vector<16xi1>, vector<16xf32>
        %add3A_174 = arith.constant 32 : i32
        %add3A_175 = arith.addi %mul3A_149, %add3A_174 : i32
        %get3A_176 = arith.index_cast %add3A_175 : i32 to index
        %get3A_177 = tpu.vector_load %arg8[%get3A_176] {strides = array<i32>} : memref<22400xf32, #tpu.memory_space<vmem>>, vector<16xf32>,
        %add3A_178 = arith.constant 32 : i32
        %add3A_179 = arith.addi %mul3A_149, %add3A_178 : i32
        %get3A_180 = arith.index_cast %add3A_179 : i32 to index
        %get3A_181 = tpu.vector_load %arg9[%get3A_180] {strides = array<i32>} : memref<22400xf32, #tpu.memory_space<vmem>>, vector<16xf32>,
        %ge3A_182 = arith.cmpf oge, %get3A_177, %gather3A : vector<16xf32>
        %eq3A_183 = arith.constant 0 : i32
        %eq3A_184 = vector.broadcast %eq3A_183 : i32 to vector<16xi32>
        %eq3A_185 = arith.cmpi eq, %scan3A_143, %eq3A_184 : vector<16xi32>
        %and3A_186 = arith.andi %ge3A_182, %eq3A_185 : vector<16xi1>
        %select_n3A_187 = arith.select %and3A_186, %get3A_181, %broadcast_in_dim3A_26 : vector<16xi1>, vector<16xf32>
        %add3A_188 = arith.constant 48 : i32
        %add3A_189 = arith.addi %mul3A_149, %add3A_188 : i32
        %get3A_190 = arith.index_cast %add3A_189 : i32 to index
        %get3A_191 = tpu.vector_load %arg8[%get3A_190] {strides = array<i32>} : memref<22400xf32, #tpu.memory_space<vmem>>, vector<16xf32>,
        %add3A_192 = arith.constant 48 : i32
        %add3A_193 = arith.addi %mul3A_149, %add3A_192 : i32
        %get3A_194 = arith.index_cast %add3A_193 : i32 to index
        %get3A_195 = tpu.vector_load %arg9[%get3A_194] {strides = array<i32>} : memref<22400xf32, #tpu.memory_space<vmem>>, vector<16xf32>,
        %ge3A_196 = arith.cmpf oge, %get3A_191, %gather3A : vector<16xf32>
        %eq3A_197 = arith.constant 0 : i32
        %eq3A_198 = vector.broadcast %eq3A_197 : i32 to vector<16xi32>
        %eq3A_199 = arith.cmpi eq, %scan3A_144, %eq3A_198 : vector<16xi32>
        %and3A_200 = arith.andi %ge3A_196, %eq3A_199 : vector<16xi1>
        %select_n3A_201 = arith.select %and3A_200, %get3A_195, %broadcast_in_dim3A_26 : vector<16xi1>, vector<16xf32>
        %add3A_202 = arith.constant 64 : i32
        %add3A_203 = arith.addi %mul3A_149, %add3A_202 : i32
        %get3A_204 = arith.index_cast %add3A_203 : i32 to index
        %get3A_205 = tpu.vector_load %arg8[%get3A_204] {strides = array<i32>} : memref<22400xf32, #tpu.memory_space<vmem>>, vector<16xf32>,
        %add3A_206 = arith.constant 64 : i32
        %add3A_207 = arith.addi %mul3A_149, %add3A_206 : i32
        %get3A_208 = arith.index_cast %add3A_207 : i32 to index
        %get3A_209 = tpu.vector_load %arg9[%get3A_208] {strides = array<i32>} : memref<22400xf32, #tpu.memory_space<vmem>>, vector<16xf32>,
        %ge3A_210 = arith.cmpf oge, %get3A_205, %gather3A : vector<16xf32>
        %eq3A_211 = arith.constant 0 : i32
        %eq3A_212 = vector.broadcast %eq3A_211 : i32 to vector<16xi32>
        %eq3A_213 = arith.cmpi eq, %scan3A_145, %eq3A_212 : vector<16xi32>
        %and3A_214 = arith.andi %ge3A_210, %eq3A_213 : vector<16xi1>
        %select_n3A_215 = arith.select %and3A_214, %get3A_209, %broadcast_in_dim3A_26 : vector<16xi1>, vector<16xf32>
        %add3A_216 = arith.constant 80 : i32
        %add3A_217 = arith.addi %mul3A_149, %add3A_216 : i32
        %get3A_218 = arith.index_cast %add3A_217 : i32 to index
        %get3A_219 = tpu.vector_load %arg8[%get3A_218] {strides = array<i32>} : memref<22400xf32, #tpu.memory_space<vmem>>, vector<16xf32>,
        %add3A_220 = arith.constant 80 : i32
        %add3A_221 = arith.addi %mul3A_149, %add3A_220 : i32
        %get3A_222 = arith.index_cast %add3A_221 : i32 to index
        %get3A_223 = tpu.vector_load %arg9[%get3A_222] {strides = array<i32>} : memref<22400xf32, #tpu.memory_space<vmem>>, vector<16xf32>,
        %ge3A_224 = arith.cmpf oge, %get3A_219, %gather3A : vector<16xf32>
        %eq3A_225 = arith.constant 0 : i32
        %eq3A_226 = vector.broadcast %eq3A_225 : i32 to vector<16xi32>
        %eq3A_227 = arith.cmpi eq, %scan3A_146, %eq3A_226 : vector<16xi32>
        %and3A_228 = arith.andi %ge3A_224, %eq3A_227 : vector<16xi1>
        %select_n3A_229 = arith.select %and3A_228, %get3A_223, %broadcast_in_dim3A_26 : vector<16xi1>, vector<16xf32>
        %add3A_230 = arith.constant 96 : i32
        %add3A_231 = arith.addi %mul3A_149, %add3A_230 : i32
        %get3A_232 = arith.index_cast %add3A_231 : i32 to index
        %get3A_233 = tpu.vector_load %arg8[%get3A_232] {strides = array<i32>} : memref<22400xf32, #tpu.memory_space<vmem>>, vector<16xf32>,
        %add3A_234 = arith.constant 96 : i32
        %add3A_235 = arith.addi %mul3A_149, %add3A_234 : i32
        %get3A_236 = arith.index_cast %add3A_235 : i32 to index
        %get3A_237 = tpu.vector_load %arg9[%get3A_236] {strides = array<i32>} : memref<22400xf32, #tpu.memory_space<vmem>>, vector<16xf32>,
        %ge3A_238 = arith.cmpf oge, %get3A_233, %gather3A : vector<16xf32>
        %eq3A_239 = arith.constant 0 : i32
        %eq3A_240 = vector.broadcast %eq3A_239 : i32 to vector<16xi32>
        %eq3A_241 = arith.cmpi eq, %scan3A_147, %eq3A_240 : vector<16xi32>
        %and3A_242 = arith.andi %ge3A_238, %eq3A_241 : vector<16xi1>
        %select_n3A_243 = arith.select %and3A_242, %get3A_237, %broadcast_in_dim3A_26 : vector<16xi1>, vector<16xf32>
        %all_reduce_population_count3A = tpu.all_reduce %and3A {dim = 0 : i64, kind = #tpu.reduction_kind<sum>} : vector<16xi1> -> vector<16xi32>
        %all_reduce_population_count3A_244 = tpu.all_reduce %and3A_172 {dim = 0 : i64, kind = #tpu.reduction_kind<sum>} : vector<16xi1> -> vector<16xi32>
        %add3A_245 = arith.addi %all_reduce_population_count3A, %all_reduce_population_count3A_244 : vector<16xi32>
        %all_reduce_population_count3A_246 = tpu.all_reduce %and3A_186 {dim = 0 : i64, kind = #tpu.reduction_kind<sum>} : vector<16xi1> -> vector<16xi32>
        %add3A_247 = arith.addi %add3A_245, %all_reduce_population_count3A_246 : vector<16xi32>
        %all_reduce_population_count3A_248 = tpu.all_reduce %and3A_200 {dim = 0 : i64, kind = #tpu.reduction_kind<sum>} : vector<16xi1> -> vector<16xi32>
        %add3A_249 = arith.addi %add3A_247, %all_reduce_population_count3A_248 : vector<16xi32>
        %all_reduce_population_count3A_250 = tpu.all_reduce %and3A_214 {dim = 0 : i64, kind = #tpu.reduction_kind<sum>} : vector<16xi1> -> vector<16xi32>
        %add3A_251 = arith.addi %add3A_249, %all_reduce_population_count3A_250 : vector<16xi32>
        %all_reduce_population_count3A_252 = tpu.all_reduce %and3A_228 {dim = 0 : i64, kind = #tpu.reduction_kind<sum>} : vector<16xi1> -> vector<16xi32>
        %add3A_253 = arith.addi %add3A_251, %all_reduce_population_count3A_252 : vector<16xi32>
        %all_reduce_population_count3A_254 = tpu.all_reduce %and3A_242 {dim = 0 : i64, kind = #tpu.reduction_kind<sum>} : vector<16xi1> -> vector<16xi32>
        %add3A_255 = arith.addi %add3A_253, %all_reduce_population_count3A_254 : vector<16xi32>
        %gather3A_256 = tpu.vector_load_idx %arg13[%add3A_255] : memref<104xf32, #tpu.memory_space<vmem>>[vector<16xi32>], vector<16xf32>,
        %max3A = arith.maximumf %select_n3A, %select_n3A_173 : vector<16xf32>
        %max3A_257 = arith.maximumf %select_n3A_187, %select_n3A_201 : vector<16xf32>
        %max3A_258 = arith.maximumf %select_n3A_215, %select_n3A_229 : vector<16xf32>
        %max3A_259 = arith.maximumf %max3A, %max3A_257 : vector<16xf32>
        %max3A_260 = arith.maximumf %max3A_258, %select_n3A_243 : vector<16xf32>
        %max3A_261 = arith.maximumf %max3A_259, %max3A_260 : vector<16xf32>
        %gather3A_262 = vector.shape_cast %broadcast_in_dim3A : vector<16x1xi32> to vector<16xi32>
        %gather3A_263 = tpu.dynamic_gather %max3A_261[%gather3A_262] in [0] : vector<16xf32>, vector<16xi32> -> vector<16xf32>
        %max3A_264 = arith.maximumf %max3A_261, %gather3A_263 : vector<16xf32>
        %gather3A_265 = vector.shape_cast %broadcast_in_dim3A_10 : vector<16x1xi32> to vector<16xi32>
        %gather3A_266 = tpu.dynamic_gather %max3A_264[%gather3A_265] in [0] : vector<16xf32>, vector<16xi32> -> vector<16xf32>
        %max3A_267 = arith.maximumf %max3A_264, %gather3A_266 : vector<16xf32>
        %gather3A_268 = vector.shape_cast %broadcast_in_dim3A_14 : vector<16x1xi32> to vector<16xi32>
        %gather3A_269 = tpu.dynamic_gather %max3A_267[%gather3A_268] in [0] : vector<16xf32>, vector<16xi32> -> vector<16xf32>
        %max3A_270 = arith.maximumf %max3A_267, %gather3A_269 : vector<16xf32>
        %gather3A_271 = vector.shape_cast %broadcast_in_dim3A_18 : vector<16x1xi32> to vector<16xi32>
        %gather3A_272 = tpu.dynamic_gather %max3A_270[%gather3A_271] in [0] : vector<16xf32>, vector<16xi32> -> vector<16xf32>
        %max3A_273 = arith.maximumf %max3A_270, %gather3A_272 : vector<16xf32>
        %add3A_274 = arith.addf %max3A_273, %gather3A_256 : vector<16xf32>
        %add3A_275 = arith.addf %get3A_156, %gather3A_256 : vector<16xf32>
        %select_n3A_276 = arith.select %and3A, %add3A_275, %broadcast_in_dim3A_26 : vector<16xi1>, vector<16xf32>
        %add3A_277 = arith.addf %get3A_167, %gather3A_256 : vector<16xf32>
        %select_n3A_278 = arith.select %and3A_172, %add3A_277, %broadcast_in_dim3A_26 : vector<16xi1>, vector<16xf32>
        %add3A_279 = arith.addf %get3A_181, %gather3A_256 : vector<16xf32>
        %select_n3A_280 = arith.select %and3A_186, %add3A_279, %broadcast_in_dim3A_26 : vector<16xi1>, vector<16xf32>
        %add3A_281 = arith.addf %get3A_195, %gather3A_256 : vector<16xf32>
        %select_n3A_282 = arith.select %and3A_200, %add3A_281, %broadcast_in_dim3A_26 : vector<16xi1>, vector<16xf32>
        %add3A_283 = arith.addf %get3A_209, %gather3A_256 : vector<16xf32>
        %select_n3A_284 = arith.select %and3A_214, %add3A_283, %broadcast_in_dim3A_26 : vector<16xi1>, vector<16xf32>
        %add3A_285 = arith.addf %get3A_223, %gather3A_256 : vector<16xf32>
        %select_n3A_286 = arith.select %and3A_228, %add3A_285, %broadcast_in_dim3A_26 : vector<16xi1>, vector<16xf32>
        %add3A_287 = arith.addf %get3A_237, %gather3A_256 : vector<16xf32>
        %select_n3A_288 = arith.select %and3A_242, %add3A_287, %broadcast_in_dim3A_26 : vector<16xi1>, vector<16xf32>
        %eq3A_289 = arith.cmpf oeq, %select_n3A_276, %add3A_274 : vector<16xf32>
        %add3A_290 = arith.constant 0 : i32
        %add3A_291 = vector.broadcast %add3A_290 : i32 to vector<16xi32>
        %add3A_292 = arith.addi %iota3A, %add3A_291 : vector<16xi32>
        %broadcast_in_dim3A_293 = arith.constant 10000 : i32
        %broadcast_in_dim3A_294 = vector.broadcast %broadcast_in_dim3A_293 : i32 to vector<16xi32>
        %select_n3A_295 = arith.select %eq3A_289, %add3A_292, %broadcast_in_dim3A_294 : vector<16xi1>, vector<16xi32>
        %eq3A_296 = arith.cmpf oeq, %select_n3A_278, %add3A_274 : vector<16xf32>
        %add3A_297 = arith.constant 16 : i32
        %add3A_298 = vector.broadcast %add3A_297 : i32 to vector<16xi32>
        %add3A_299 = arith.addi %iota3A, %add3A_298 : vector<16xi32>
        %broadcast_in_dim3A_300 = arith.constant 10000 : i32
        %broadcast_in_dim3A_301 = vector.broadcast %broadcast_in_dim3A_300 : i32 to vector<16xi32>
        %select_n3A_302 = arith.select %eq3A_296, %add3A_299, %broadcast_in_dim3A_301 : vector<16xi1>, vector<16xi32>
        %eq3A_303 = arith.cmpf oeq, %select_n3A_280, %add3A_274 : vector<16xf32>
        %add3A_304 = arith.constant 32 : i32
        %add3A_305 = vector.broadcast %add3A_304 : i32 to vector<16xi32>
        %add3A_306 = arith.addi %iota3A, %add3A_305 : vector<16xi32>
        %broadcast_in_dim3A_307 = arith.constant 10000 : i32
        %broadcast_in_dim3A_308 = vector.broadcast %broadcast_in_dim3A_307 : i32 to vector<16xi32>
        %select_n3A_309 = arith.select %eq3A_303, %add3A_306, %broadcast_in_dim3A_308 : vector<16xi1>, vector<16xi32>
        %eq3A_310 = arith.cmpf oeq, %select_n3A_282, %add3A_274 : vector<16xf32>
        %add3A_311 = arith.constant 48 : i32
        %add3A_312 = vector.broadcast %add3A_311 : i32 to vector<16xi32>
        %add3A_313 = arith.addi %iota3A, %add3A_312 : vector<16xi32>
        %broadcast_in_dim3A_314 = arith.constant 10000 : i32
        %broadcast_in_dim3A_315 = vector.broadcast %broadcast_in_dim3A_314 : i32 to vector<16xi32>
        %select_n3A_316 = arith.select %eq3A_310, %add3A_313, %broadcast_in_dim3A_315 : vector<16xi1>, vector<16xi32>
        %eq3A_317 = arith.cmpf oeq, %select_n3A_284, %add3A_274 : vector<16xf32>
        %add3A_318 = arith.constant 64 : i32
        %add3A_319 = vector.broadcast %add3A_318 : i32 to vector<16xi32>
        %add3A_320 = arith.addi %iota3A, %add3A_319 : vector<16xi32>
        %broadcast_in_dim3A_321 = arith.constant 10000 : i32
        %broadcast_in_dim3A_322 = vector.broadcast %broadcast_in_dim3A_321 : i32 to vector<16xi32>
        %select_n3A_323 = arith.select %eq3A_317, %add3A_320, %broadcast_in_dim3A_322 : vector<16xi1>, vector<16xi32>
        %eq3A_324 = arith.cmpf oeq, %select_n3A_286, %add3A_274 : vector<16xf32>
        %add3A_325 = arith.constant 80 : i32
        %add3A_326 = vector.broadcast %add3A_325 : i32 to vector<16xi32>
        %add3A_327 = arith.addi %iota3A, %add3A_326 : vector<16xi32>
        %broadcast_in_dim3A_328 = arith.constant 10000 : i32
        %broadcast_in_dim3A_329 = vector.broadcast %broadcast_in_dim3A_328 : i32 to vector<16xi32>
        %select_n3A_330 = arith.select %eq3A_324, %add3A_327, %broadcast_in_dim3A_329 : vector<16xi1>, vector<16xi32>
        %eq3A_331 = arith.cmpf oeq, %select_n3A_288, %add3A_274 : vector<16xf32>
        %add3A_332 = arith.constant 96 : i32
        %add3A_333 = vector.broadcast %add3A_332 : i32 to vector<16xi32>
        %add3A_334 = arith.addi %iota3A, %add3A_333 : vector<16xi32>
        %broadcast_in_dim3A_335 = arith.constant 10000 : i32
        %broadcast_in_dim3A_336 = vector.broadcast %broadcast_in_dim3A_335 : i32 to vector<16xi32>
        %select_n3A_337 = arith.select %eq3A_331, %add3A_334, %broadcast_in_dim3A_336 : vector<16xi1>, vector<16xi32>
        %min3A_338 = arith.minsi %select_n3A_295, %select_n3A_302 : vector<16xi32>
        %min3A_339 = arith.minsi %select_n3A_309, %select_n3A_316 : vector<16xi32>
        %min3A_340 = arith.minsi %select_n3A_323, %select_n3A_330 : vector<16xi32>
        %min3A_341 = arith.minsi %min3A_338, %min3A_339 : vector<16xi32>
        %min3A_342 = arith.minsi %min3A_340, %select_n3A_337 : vector<16xi32>
        %min3A_343 = arith.minsi %min3A_341, %min3A_342 : vector<16xi32>
        %gather3A_344 = vector.shape_cast %broadcast_in_dim3A : vector<16x1xi32> to vector<16xi32>
        %gather3A_345 = tpu.dynamic_gather %min3A_343[%gather3A_344] in [0] : vector<16xi32>, vector<16xi32> -> vector<16xi32>
        %min3A_346 = arith.minsi %min3A_343, %gather3A_345 : vector<16xi32>
        %gather3A_347 = vector.shape_cast %broadcast_in_dim3A_10 : vector<16x1xi32> to vector<16xi32>
        %gather3A_348 = tpu.dynamic_gather %min3A_346[%gather3A_347] in [0] : vector<16xi32>, vector<16xi32> -> vector<16xi32>
        %min3A_349 = arith.minsi %min3A_346, %gather3A_348 : vector<16xi32>
        %gather3A_350 = vector.shape_cast %broadcast_in_dim3A_14 : vector<16x1xi32> to vector<16xi32>
        %gather3A_351 = tpu.dynamic_gather %min3A_349[%gather3A_350] in [0] : vector<16xi32>, vector<16xi32> -> vector<16xi32>
        %min3A_352 = arith.minsi %min3A_349, %gather3A_351 : vector<16xi32>
        %gather3A_353 = vector.shape_cast %broadcast_in_dim3A_18 : vector<16x1xi32> to vector<16xi32>
        %gather3A_354 = tpu.dynamic_gather %min3A_352[%gather3A_353] in [0] : vector<16xi32>, vector<16xi32> -> vector<16xi32>
        %min3A_355 = arith.minsi %min3A_352, %gather3A_354 : vector<16xi32>
        %add3A_356 = vector.broadcast %mul3A_149 : i32 to vector<16xi32>
        %add3A_357 = arith.addi %add3A_356, %min3A_355 : vector<16xi32>
        %gather3A_358 = tpu.vector_load_idx %arg8[%add3A_357] : memref<22400xf32, #tpu.memory_space<vmem>>[vector<16xi32>], vector<16xf32>,
        %add3A_359 = arith.addf %scan3A_140, %gather3A_358 : vector<16xf32>
        %gt3A = arith.constant 0 : i32
        %gt3A_360 = vector.broadcast %gt3A : i32 to vector<16xi32>
        %gt3A_361 = arith.cmpi sgt, %min3A_355, %gt3A_360 : vector<16xi32>
        %add3A_362 = arith.constant 0 : i32
        %add3A_363 = vector.broadcast %add3A_362 : i32 to vector<16xi32>
        %add3A_364 = arith.addi %iota3A, %add3A_363 : vector<16xi32>
        %eq3A_365 = arith.cmpi eq, %add3A_364, %min3A_355 : vector<16xi32>
        %and3A_366 = arith.andi %eq3A_365, %gt3A_361 : vector<16xi1>
        %select_n3A_367 = arith.select %and3A_366, %broadcast_in_dim3A_24, %scan3A_141 : vector<16xi1>, vector<16xi32>
        %add3A_368 = arith.constant 16 : i32
        %add3A_369 = vector.broadcast %add3A_368 : i32 to vector<16xi32>
        %add3A_370 = arith.addi %iota3A, %add3A_369 : vector<16xi32>
        %eq3A_371 = arith.cmpi eq, %add3A_370, %min3A_355 : vector<16xi32>
        %and3A_372 = arith.andi %eq3A_371, %gt3A_361 : vector<16xi1>
        %select_n3A_373 = arith.select %and3A_372, %broadcast_in_dim3A_24, %scan3A_142 : vector<16xi1>, vector<16xi32>
        %add3A_374 = arith.constant 32 : i32
        %add3A_375 = vector.broadcast %add3A_374 : i32 to vector<16xi32>
        %add3A_376 = arith.addi %iota3A, %add3A_375 : vector<16xi32>
        %eq3A_377 = arith.cmpi eq, %add3A_376, %min3A_355 : vector<16xi32>
        %and3A_378 = arith.andi %eq3A_377, %gt3A_361 : vector<16xi1>
        %select_n3A_379 = arith.select %and3A_378, %broadcast_in_dim3A_24, %scan3A_143 : vector<16xi1>, vector<16xi32>
        %add3A_380 = arith.constant 48 : i32
        %add3A_381 = vector.broadcast %add3A_380 : i32 to vector<16xi32>
        %add3A_382 = arith.addi %iota3A, %add3A_381 : vector<16xi32>
        %eq3A_383 = arith.cmpi eq, %add3A_382, %min3A_355 : vector<16xi32>
        %and3A_384 = arith.andi %eq3A_383, %gt3A_361 : vector<16xi1>
        %select_n3A_385 = arith.select %and3A_384, %broadcast_in_dim3A_24, %scan3A_144 : vector<16xi1>, vector<16xi32>
        %add3A_386 = arith.constant 64 : i32
        %add3A_387 = vector.broadcast %add3A_386 : i32 to vector<16xi32>
        %add3A_388 = arith.addi %iota3A, %add3A_387 : vector<16xi32>
        %eq3A_389 = arith.cmpi eq, %add3A_388, %min3A_355 : vector<16xi32>
        %and3A_390 = arith.andi %eq3A_389, %gt3A_361 : vector<16xi1>
        %select_n3A_391 = arith.select %and3A_390, %broadcast_in_dim3A_24, %scan3A_145 : vector<16xi1>, vector<16xi32>
        %add3A_392 = arith.constant 80 : i32
        %add3A_393 = vector.broadcast %add3A_392 : i32 to vector<16xi32>
        %add3A_394 = arith.addi %iota3A, %add3A_393 : vector<16xi32>
        %eq3A_395 = arith.cmpi eq, %add3A_394, %min3A_355 : vector<16xi32>
        %and3A_396 = arith.andi %eq3A_395, %gt3A_361 : vector<16xi1>
        %select_n3A_397 = arith.select %and3A_396, %broadcast_in_dim3A_24, %scan3A_146 : vector<16xi1>, vector<16xi32>
        %add3A_398 = arith.constant 96 : i32
        %add3A_399 = vector.broadcast %add3A_398 : i32 to vector<16xi32>
        %add3A_400 = arith.addi %iota3A, %add3A_399 : vector<16xi32>
        %eq3A_401 = arith.cmpi eq, %add3A_400, %min3A_355 : vector<16xi32>
        %and3A_402 = arith.andi %eq3A_401, %gt3A_361 : vector<16xi1>
        %select_n3A_403 = arith.select %and3A_402, %broadcast_in_dim3A_24, %scan3A_147 : vector<16xi1>, vector<16xi32>
        %broadcast_in_dim3A_404 = vector.broadcast %scan3A_139 : i32 to vector<16xi32>
        tpu.vector_store_idx %arg15[%broadcast_in_dim3A_404], %min3A_355 masked %eq3A_4 : memref<200xi32, #tpu.memory_space<vmem>>[vector<16xi32>], vector<16xi32>, vector<16xi1>
        scf.yield %add3A_359, %select_n3A_367, %select_n3A_373, %select_n3A_379, %select_n3A_385, %select_n3A_391, %select_n3A_397, %select_n3A_403 : vector<16xf32>, vector<16xi32>, vector<16xi32>, vector<16xi32>, vector<16xi32>, vector<16xi32>, vector<16xi32>, vector<16xi32>
      }
      %scan3A_99 = arith.constant 200 : i32
      %broadcast_in_dim3A_100 = vector.broadcast %mul3A_92 : i32 to vector<16xi32>
      tpu.vector_store_idx %arg14[%broadcast_in_dim3A_100], %scan3A_98#0 masked %eq3A_4 : memref<32xf32, #tpu.memory_space<vmem>>[vector<16xi32>], vector<16xf32>, vector<16xi1>
      "tpu.region"() ({
        %run_scoped3A = tpu.sem_alloc : memref<!tpu.dma_semaphore, #tpu.memory_space<semaphore_mem>>
        %dma_start3A_139 = arith.constant 0 : i32
        %dma_start3A_140 = tpu.memref_slice %arg7[%add3A_61, %dma_start3A_139] : memref<1024x200xi32, #tpu.memory_space<hbm>> -> memref<1x200xi32, #tpu.memory_space<hbm>>
        %dma_start3A_141 = tpu.memref_squeeze %dma_start3A_140 : memref<1x200xi32, #tpu.memory_space<hbm>> -> memref<200xi32, #tpu.memory_space<hbm>>
        %dma_start3A_142 = arith.constant 0 : i32
        %dma_start3A_143 = tpu.memref_slice %arg7[%add3A_61, %dma_start3A_142] : memref<1024x200xi32, #tpu.memory_space<hbm>> -> memref<1x200xi32, #tpu.memory_space<hbm>>
        %dma_start3A_144 = tpu.memref_squeeze %dma_start3A_143 : memref<1x200xi32, #tpu.memory_space<hbm>> -> memref<200xi32, #tpu.memory_space<hbm>>
        tpu.enqueue_dma source(%arg15 : memref<200xi32, #tpu.memory_space<vmem>>) target(%dma_start3A_144 : memref<200xi32, #tpu.memory_space<hbm>>) target_semaphore(%run_scoped3A : memref<!tpu.dma_semaphore, #tpu.memory_space<semaphore_mem>>)
        %dma_wait3A_145 = arith.constant 0 : i32
        %dma_wait3A_146 = tpu.memref_slice %arg7[%add3A_61, %dma_wait3A_145] : memref<1024x200xi32, #tpu.memory_space<hbm>> -> memref<1x200xi32, #tpu.memory_space<hbm>>
        %dma_wait3A_147 = tpu.memref_squeeze %dma_wait3A_146 : memref<1x200xi32, #tpu.memory_space<hbm>> -> memref<200xi32, #tpu.memory_space<hbm>>
        %dma_wait3A_148 = arith.constant 0 : i32
        %dma_wait3A_149 = tpu.memref_slice %arg7[%add3A_61, %dma_wait3A_148] : memref<1024x200xi32, #tpu.memory_space<hbm>> -> memref<1x200xi32, #tpu.memory_space<hbm>>
        %dma_wait3A_150 = tpu.memref_squeeze %dma_wait3A_149 : memref<1x200xi32, #tpu.memory_space<hbm>> -> memref<200xi32, #tpu.memory_space<hbm>>
        tpu.wait_dma2 semaphore(%run_scoped3A : memref<!tpu.dma_semaphore, #tpu.memory_space<semaphore_mem>>) src(%arg15 : memref<200xi32, #tpu.memory_space<vmem>>) dst(%dma_wait3A_150 : memref<200xi32, #tpu.memory_space<hbm>>)
        tpu.yield
      }) : () -> ()
      %dma_wait3A_101 = arith.constant 0 : i32
      %dma_wait3A_102 = tpu.memref_slice %arg2[%add3A_63, %dma_wait3A_101] : memref<1024x22400xf32, #tpu.memory_space<hbm>> -> memref<1x22400xf32, #tpu.memory_space<hbm>>
      %dma_wait3A_103 = tpu.memref_squeeze %dma_wait3A_102 : memref<1x22400xf32, #tpu.memory_space<hbm>> -> memref<22400xf32, #tpu.memory_space<hbm>>
      %dma_wait3A_104 = arith.constant 0 : i32
      %dma_wait3A_105 = tpu.memref_slice %arg2[%add3A_63, %dma_wait3A_104] : memref<1024x22400xf32, #tpu.memory_space<hbm>> -> memref<1x22400xf32, #tpu.memory_space<hbm>>
      %dma_wait3A_106 = tpu.memref_squeeze %dma_wait3A_105 : memref<1x22400xf32, #tpu.memory_space<hbm>> -> memref<22400xf32, #tpu.memory_space<hbm>>
      tpu.wait_dma2 semaphore(%arg18 : memref<!tpu.dma_semaphore, #tpu.memory_space<semaphore_mem>>) src(%dma_wait3A_106 : memref<22400xf32, #tpu.memory_space<hbm>>) dst(%arg10 : memref<22400xf32, #tpu.memory_space<vmem>>)
      %dma_wait3A_107 = arith.constant 0 : i32
      %dma_wait3A_108 = tpu.memref_slice %arg3[%add3A_63, %dma_wait3A_107] : memref<1024x22400xf32, #tpu.memory_space<hbm>> -> memref<1x22400xf32, #tpu.memory_space<hbm>>
      %dma_wait3A_109 = tpu.memref_squeeze %dma_wait3A_108 : memref<1x22400xf32, #tpu.memory_space<hbm>> -> memref<22400xf32, #tpu.memory_space<hbm>>
      %dma_wait3A_110 = arith.constant 0 : i32
      %dma_wait3A_111 = tpu.memref_slice %arg3[%add3A_63, %dma_wait3A_110] : memref<1024x22400xf32, #tpu.memory_space<hbm>> -> memref<1x22400xf32, #tpu.memory_space<hbm>>
      %dma_wait3A_112 = tpu.memref_squeeze %dma_wait3A_111 : memref<1x22400xf32, #tpu.memory_space<hbm>> -> memref<22400xf32, #tpu.memory_space<hbm>>
      tpu.wait_dma2 semaphore(%arg19 : memref<!tpu.dma_semaphore, #tpu.memory_space<semaphore_mem>>) src(%dma_wait3A_112 : memref<22400xf32, #tpu.memory_space<hbm>>) dst(%arg11 : memref<22400xf32, #tpu.memory_space<vmem>>)
      %dma_start3A_113 = arith.constant 0 : i32
      %dma_start3A_114 = tpu.memref_slice %arg2[%min3A_66, %dma_start3A_113] : memref<1024x22400xf32, #tpu.memory_space<hbm>> -> memref<1x22400xf32, #tpu.memory_space<hbm>>
      %dma_start3A_115 = tpu.memref_squeeze %dma_start3A_114 : memref<1x22400xf32, #tpu.memory_space<hbm>> -> memref<22400xf32, #tpu.memory_space<hbm>>
      %dma_start3A_116 = arith.constant 0 : i32
      %dma_start3A_117 = tpu.memref_slice %arg2[%min3A_66, %dma_start3A_116] : memref<1024x22400xf32, #tpu.memory_space<hbm>> -> memref<1x22400xf32, #tpu.memory_space<hbm>>
      %dma_start3A_118 = tpu.memref_squeeze %dma_start3A_117 : memref<1x22400xf32, #tpu.memory_space<hbm>> -> memref<22400xf32, #tpu.memory_space<hbm>>
      tpu.enqueue_dma source(%dma_start3A_118 : memref<22400xf32, #tpu.memory_space<hbm>>) target(%arg8 : memref<22400xf32, #tpu.memory_space<vmem>>) target_semaphore(%arg16 : memref<!tpu.dma_semaphore, #tpu.memory_space<semaphore_mem>>)
      %dma_start3A_119 = arith.constant 0 : i32
      %dma_start3A_120 = tpu.memref_slice %arg3[%min3A_66, %dma_start3A_119] : memref<1024x22400xf32, #tpu.memory_space<hbm>> -> memref<1x22400xf32, #tpu.memory_space<hbm>>
      %dma_start3A_121 = tpu.memref_squeeze %dma_start3A_120 : memref<1x22400xf32, #tpu.memory_space<hbm>> -> memref<22400xf32, #tpu.memory_space<hbm>>
      %dma_start3A_122 = arith.constant 0 : i32
      %dma_start3A_123 = tpu.memref_slice %arg3[%min3A_66, %dma_start3A_122] : memref<1024x22400xf32, #tpu.memory_space<hbm>> -> memref<1x22400xf32, #tpu.memory_space<hbm>>
      %dma_start3A_124 = tpu.memref_squeeze %dma_start3A_123 : memref<1x22400xf32, #tpu.memory_space<hbm>> -> memref<22400xf32, #tpu.memory_space<hbm>>
      tpu.enqueue_dma source(%dma_start3A_124 : memref<22400xf32, #tpu.memory_space<hbm>>) target(%arg9 : memref<22400xf32, #tpu.memory_space<vmem>>) target_semaphore(%arg17 : memref<!tpu.dma_semaphore, #tpu.memory_space<semaphore_mem>>)
      %mul3A_125 = arith.constant 2 : i32
      %mul3A_126 = arith.muli %mul3A_125, %scan3A_57 : i32
      %add3A_127 = arith.constant 1 : i32
      %add3A_128 = arith.addi %mul3A_126, %add3A_127 : i32
      %broadcast_in_dim3A_129 = vector.broadcast %add3A_128 : i32 to vector<16xi32>
      %gather3A_130 = tpu.vector_load_idx %arg12[%broadcast_in_dim3A_129] : memref<32xf32, #tpu.memory_space<vmem>>[vector<16xi32>], vector<16xf32>,
      %scan3A_131 = arith.constant 0 : i32
      %scan3A_132 = arith.constant 200 : i32
      %scan3A_133 = arith.addi %scan3A_131, %scan3A_132 : i32
      %scan3A_134 = arith.constant 1 : i32
      %scan3A_135:8 = scf.for %scan3A_139 = %scan3A_131 to %scan3A_133 step %scan3A_134 iter_args(%scan3A_140 = %broadcast_in_dim3A_22, %scan3A_141 = %broadcast_in_dim3A_20, %scan3A_142 = %broadcast_in_dim3A_20, %scan3A_143 = %broadcast_in_dim3A_20, %scan3A_144 = %broadcast_in_dim3A_20, %scan3A_145 = %broadcast_in_dim3A_20, %scan3A_146 = %broadcast_in_dim3A_20, %scan3A_147 = %broadcast_in_dim3A_20) -> (vector<16xf32>, vector<16xi32>, vector<16xi32>, vector<16xi32>, vector<16xi32>, vector<16xi32>, vector<16xi32>, vector<16xi32>)  : i32 {
        %mul3A_148 = arith.constant 112 : i32
        %mul3A_149 = arith.muli %scan3A_139, %mul3A_148 : i32
        %add3A_150 = arith.constant 0 : i32
        %add3A_151 = arith.addi %mul3A_149, %add3A_150 : i32
        %get3A = arith.index_cast %add3A_151 : i32 to index
        %get3A_152 = tpu.vector_load %arg10[%get3A] {strides = array<i32>} : memref<22400xf32, #tpu.memory_space<vmem>>, vector<16xf32>,
        %add3A_153 = arith.constant 0 : i32
        %add3A_154 = arith.addi %mul3A_149, %add3A_153 : i32
        %get3A_155 = arith.index_cast %add3A_154 : i32 to index
        %get3A_156 = tpu.vector_load %arg11[%get3A_155] {strides = array<i32>} : memref<22400xf32, #tpu.memory_space<vmem>>, vector<16xf32>,
        %ge3A = arith.cmpf oge, %get3A_152, %gather3A_130 : vector<16xf32>
        %eq3A_157 = arith.constant 0 : i32
        %eq3A_158 = vector.broadcast %eq3A_157 : i32 to vector<16xi32>
        %eq3A_159 = arith.cmpi eq, %scan3A_141, %eq3A_158 : vector<16xi32>
        %and3A = arith.andi %ge3A, %eq3A_159 : vector<16xi1>
        %select_n3A = arith.select %and3A, %get3A_156, %broadcast_in_dim3A_26 : vector<16xi1>, vector<16xf32>
        %add3A_160 = arith.constant 16 : i32
        %add3A_161 = arith.addi %mul3A_149, %add3A_160 : i32
        %get3A_162 = arith.index_cast %add3A_161 : i32 to index
        %get3A_163 = tpu.vector_load %arg10[%get3A_162] {strides = array<i32>} : memref<22400xf32, #tpu.memory_space<vmem>>, vector<16xf32>,
        %add3A_164 = arith.constant 16 : i32
        %add3A_165 = arith.addi %mul3A_149, %add3A_164 : i32
        %get3A_166 = arith.index_cast %add3A_165 : i32 to index
        %get3A_167 = tpu.vector_load %arg11[%get3A_166] {strides = array<i32>} : memref<22400xf32, #tpu.memory_space<vmem>>, vector<16xf32>,
        %ge3A_168 = arith.cmpf oge, %get3A_163, %gather3A_130 : vector<16xf32>
        %eq3A_169 = arith.constant 0 : i32
        %eq3A_170 = vector.broadcast %eq3A_169 : i32 to vector<16xi32>
        %eq3A_171 = arith.cmpi eq, %scan3A_142, %eq3A_170 : vector<16xi32>
        %and3A_172 = arith.andi %ge3A_168, %eq3A_171 : vector<16xi1>
        %select_n3A_173 = arith.select %and3A_172, %get3A_167, %broadcast_in_dim3A_26 : vector<16xi1>, vector<16xf32>
        %add3A_174 = arith.constant 32 : i32
        %add3A_175 = arith.addi %mul3A_149, %add3A_174 : i32
        %get3A_176 = arith.index_cast %add3A_175 : i32 to index
        %get3A_177 = tpu.vector_load %arg10[%get3A_176] {strides = array<i32>} : memref<22400xf32, #tpu.memory_space<vmem>>, vector<16xf32>,
        %add3A_178 = arith.constant 32 : i32
        %add3A_179 = arith.addi %mul3A_149, %add3A_178 : i32
        %get3A_180 = arith.index_cast %add3A_179 : i32 to index
        %get3A_181 = tpu.vector_load %arg11[%get3A_180] {strides = array<i32>} : memref<22400xf32, #tpu.memory_space<vmem>>, vector<16xf32>,
        %ge3A_182 = arith.cmpf oge, %get3A_177, %gather3A_130 : vector<16xf32>
        %eq3A_183 = arith.constant 0 : i32
        %eq3A_184 = vector.broadcast %eq3A_183 : i32 to vector<16xi32>
        %eq3A_185 = arith.cmpi eq, %scan3A_143, %eq3A_184 : vector<16xi32>
        %and3A_186 = arith.andi %ge3A_182, %eq3A_185 : vector<16xi1>
        %select_n3A_187 = arith.select %and3A_186, %get3A_181, %broadcast_in_dim3A_26 : vector<16xi1>, vector<16xf32>
        %add3A_188 = arith.constant 48 : i32
        %add3A_189 = arith.addi %mul3A_149, %add3A_188 : i32
        %get3A_190 = arith.index_cast %add3A_189 : i32 to index
        %get3A_191 = tpu.vector_load %arg10[%get3A_190] {strides = array<i32>} : memref<22400xf32, #tpu.memory_space<vmem>>, vector<16xf32>,
        %add3A_192 = arith.constant 48 : i32
        %add3A_193 = arith.addi %mul3A_149, %add3A_192 : i32
        %get3A_194 = arith.index_cast %add3A_193 : i32 to index
        %get3A_195 = tpu.vector_load %arg11[%get3A_194] {strides = array<i32>} : memref<22400xf32, #tpu.memory_space<vmem>>, vector<16xf32>,
        %ge3A_196 = arith.cmpf oge, %get3A_191, %gather3A_130 : vector<16xf32>
        %eq3A_197 = arith.constant 0 : i32
        %eq3A_198 = vector.broadcast %eq3A_197 : i32 to vector<16xi32>
        %eq3A_199 = arith.cmpi eq, %scan3A_144, %eq3A_198 : vector<16xi32>
        %and3A_200 = arith.andi %ge3A_196, %eq3A_199 : vector<16xi1>
        %select_n3A_201 = arith.select %and3A_200, %get3A_195, %broadcast_in_dim3A_26 : vector<16xi1>, vector<16xf32>
        %add3A_202 = arith.constant 64 : i32
        %add3A_203 = arith.addi %mul3A_149, %add3A_202 : i32
        %get3A_204 = arith.index_cast %add3A_203 : i32 to index
        %get3A_205 = tpu.vector_load %arg10[%get3A_204] {strides = array<i32>} : memref<22400xf32, #tpu.memory_space<vmem>>, vector<16xf32>,
        %add3A_206 = arith.constant 64 : i32
        %add3A_207 = arith.addi %mul3A_149, %add3A_206 : i32
        %get3A_208 = arith.index_cast %add3A_207 : i32 to index
        %get3A_209 = tpu.vector_load %arg11[%get3A_208] {strides = array<i32>} : memref<22400xf32, #tpu.memory_space<vmem>>, vector<16xf32>,
        %ge3A_210 = arith.cmpf oge, %get3A_205, %gather3A_130 : vector<16xf32>
        %eq3A_211 = arith.constant 0 : i32
        %eq3A_212 = vector.broadcast %eq3A_211 : i32 to vector<16xi32>
        %eq3A_213 = arith.cmpi eq, %scan3A_145, %eq3A_212 : vector<16xi32>
        %and3A_214 = arith.andi %ge3A_210, %eq3A_213 : vector<16xi1>
        %select_n3A_215 = arith.select %and3A_214, %get3A_209, %broadcast_in_dim3A_26 : vector<16xi1>, vector<16xf32>
        %add3A_216 = arith.constant 80 : i32
        %add3A_217 = arith.addi %mul3A_149, %add3A_216 : i32
        %get3A_218 = arith.index_cast %add3A_217 : i32 to index
        %get3A_219 = tpu.vector_load %arg10[%get3A_218] {strides = array<i32>} : memref<22400xf32, #tpu.memory_space<vmem>>, vector<16xf32>,
        %add3A_220 = arith.constant 80 : i32
        %add3A_221 = arith.addi %mul3A_149, %add3A_220 : i32
        %get3A_222 = arith.index_cast %add3A_221 : i32 to index
        %get3A_223 = tpu.vector_load %arg11[%get3A_222] {strides = array<i32>} : memref<22400xf32, #tpu.memory_space<vmem>>, vector<16xf32>,
        %ge3A_224 = arith.cmpf oge, %get3A_219, %gather3A_130 : vector<16xf32>
        %eq3A_225 = arith.constant 0 : i32
        %eq3A_226 = vector.broadcast %eq3A_225 : i32 to vector<16xi32>
        %eq3A_227 = arith.cmpi eq, %scan3A_146, %eq3A_226 : vector<16xi32>
        %and3A_228 = arith.andi %ge3A_224, %eq3A_227 : vector<16xi1>
        %select_n3A_229 = arith.select %and3A_228, %get3A_223, %broadcast_in_dim3A_26 : vector<16xi1>, vector<16xf32>
        %add3A_230 = arith.constant 96 : i32
        %add3A_231 = arith.addi %mul3A_149, %add3A_230 : i32
        %get3A_232 = arith.index_cast %add3A_231 : i32 to index
        %get3A_233 = tpu.vector_load %arg10[%get3A_232] {strides = array<i32>} : memref<22400xf32, #tpu.memory_space<vmem>>, vector<16xf32>,
        %add3A_234 = arith.constant 96 : i32
        %add3A_235 = arith.addi %mul3A_149, %add3A_234 : i32
        %get3A_236 = arith.index_cast %add3A_235 : i32 to index
        %get3A_237 = tpu.vector_load %arg11[%get3A_236] {strides = array<i32>} : memref<22400xf32, #tpu.memory_space<vmem>>, vector<16xf32>,
        %ge3A_238 = arith.cmpf oge, %get3A_233, %gather3A_130 : vector<16xf32>
        %eq3A_239 = arith.constant 0 : i32
        %eq3A_240 = vector.broadcast %eq3A_239 : i32 to vector<16xi32>
        %eq3A_241 = arith.cmpi eq, %scan3A_147, %eq3A_240 : vector<16xi32>
        %and3A_242 = arith.andi %ge3A_238, %eq3A_241 : vector<16xi1>
        %select_n3A_243 = arith.select %and3A_242, %get3A_237, %broadcast_in_dim3A_26 : vector<16xi1>, vector<16xf32>
        %all_reduce_population_count3A = tpu.all_reduce %and3A {dim = 0 : i64, kind = #tpu.reduction_kind<sum>} : vector<16xi1> -> vector<16xi32>
        %all_reduce_population_count3A_244 = tpu.all_reduce %and3A_172 {dim = 0 : i64, kind = #tpu.reduction_kind<sum>} : vector<16xi1> -> vector<16xi32>
        %add3A_245 = arith.addi %all_reduce_population_count3A, %all_reduce_population_count3A_244 : vector<16xi32>
        %all_reduce_population_count3A_246 = tpu.all_reduce %and3A_186 {dim = 0 : i64, kind = #tpu.reduction_kind<sum>} : vector<16xi1> -> vector<16xi32>
        %add3A_247 = arith.addi %add3A_245, %all_reduce_population_count3A_246 : vector<16xi32>
        %all_reduce_population_count3A_248 = tpu.all_reduce %and3A_200 {dim = 0 : i64, kind = #tpu.reduction_kind<sum>} : vector<16xi1> -> vector<16xi32>
        %add3A_249 = arith.addi %add3A_247, %all_reduce_population_count3A_248 : vector<16xi32>
        %all_reduce_population_count3A_250 = tpu.all_reduce %and3A_214 {dim = 0 : i64, kind = #tpu.reduction_kind<sum>} : vector<16xi1> -> vector<16xi32>
        %add3A_251 = arith.addi %add3A_249, %all_reduce_population_count3A_250 : vector<16xi32>
        %all_reduce_population_count3A_252 = tpu.all_reduce %and3A_228 {dim = 0 : i64, kind = #tpu.reduction_kind<sum>} : vector<16xi1> -> vector<16xi32>
        %add3A_253 = arith.addi %add3A_251, %all_reduce_population_count3A_252 : vector<16xi32>
        %all_reduce_population_count3A_254 = tpu.all_reduce %and3A_242 {dim = 0 : i64, kind = #tpu.reduction_kind<sum>} : vector<16xi1> -> vector<16xi32>
        %add3A_255 = arith.addi %add3A_253, %all_reduce_population_count3A_254 : vector<16xi32>
        %gather3A_256 = tpu.vector_load_idx %arg13[%add3A_255] : memref<104xf32, #tpu.memory_space<vmem>>[vector<16xi32>], vector<16xf32>,
        %max3A = arith.maximumf %select_n3A, %select_n3A_173 : vector<16xf32>
        %max3A_257 = arith.maximumf %select_n3A_187, %select_n3A_201 : vector<16xf32>
        %max3A_258 = arith.maximumf %select_n3A_215, %select_n3A_229 : vector<16xf32>
        %max3A_259 = arith.maximumf %max3A, %max3A_257 : vector<16xf32>
        %max3A_260 = arith.maximumf %max3A_258, %select_n3A_243 : vector<16xf32>
        %max3A_261 = arith.maximumf %max3A_259, %max3A_260 : vector<16xf32>
        %gather3A_262 = vector.shape_cast %broadcast_in_dim3A : vector<16x1xi32> to vector<16xi32>
        %gather3A_263 = tpu.dynamic_gather %max3A_261[%gather3A_262] in [0] : vector<16xf32>, vector<16xi32> -> vector<16xf32>
        %max3A_264 = arith.maximumf %max3A_261, %gather3A_263 : vector<16xf32>
        %gather3A_265 = vector.shape_cast %broadcast_in_dim3A_10 : vector<16x1xi32> to vector<16xi32>
        %gather3A_266 = tpu.dynamic_gather %max3A_264[%gather3A_265] in [0] : vector<16xf32>, vector<16xi32> -> vector<16xf32>
        %max3A_267 = arith.maximumf %max3A_264, %gather3A_266 : vector<16xf32>
        %gather3A_268 = vector.shape_cast %broadcast_in_dim3A_14 : vector<16x1xi32> to vector<16xi32>
        %gather3A_269 = tpu.dynamic_gather %max3A_267[%gather3A_268] in [0] : vector<16xf32>, vector<16xi32> -> vector<16xf32>
        %max3A_270 = arith.maximumf %max3A_267, %gather3A_269 : vector<16xf32>
        %gather3A_271 = vector.shape_cast %broadcast_in_dim3A_18 : vector<16x1xi32> to vector<16xi32>
        %gather3A_272 = tpu.dynamic_gather %max3A_270[%gather3A_271] in [0] : vector<16xf32>, vector<16xi32> -> vector<16xf32>
        %max3A_273 = arith.maximumf %max3A_270, %gather3A_272 : vector<16xf32>
        %add3A_274 = arith.addf %max3A_273, %gather3A_256 : vector<16xf32>
        %add3A_275 = arith.addf %get3A_156, %gather3A_256 : vector<16xf32>
        %select_n3A_276 = arith.select %and3A, %add3A_275, %broadcast_in_dim3A_26 : vector<16xi1>, vector<16xf32>
        %add3A_277 = arith.addf %get3A_167, %gather3A_256 : vector<16xf32>
        %select_n3A_278 = arith.select %and3A_172, %add3A_277, %broadcast_in_dim3A_26 : vector<16xi1>, vector<16xf32>
        %add3A_279 = arith.addf %get3A_181, %gather3A_256 : vector<16xf32>
        %select_n3A_280 = arith.select %and3A_186, %add3A_279, %broadcast_in_dim3A_26 : vector<16xi1>, vector<16xf32>
        %add3A_281 = arith.addf %get3A_195, %gather3A_256 : vector<16xf32>
        %select_n3A_282 = arith.select %and3A_200, %add3A_281, %broadcast_in_dim3A_26 : vector<16xi1>, vector<16xf32>
        %add3A_283 = arith.addf %get3A_209, %gather3A_256 : vector<16xf32>
        %select_n3A_284 = arith.select %and3A_214, %add3A_283, %broadcast_in_dim3A_26 : vector<16xi1>, vector<16xf32>
        %add3A_285 = arith.addf %get3A_223, %gather3A_256 : vector<16xf32>
        %select_n3A_286 = arith.select %and3A_228, %add3A_285, %broadcast_in_dim3A_26 : vector<16xi1>, vector<16xf32>
        %add3A_287 = arith.addf %get3A_237, %gather3A_256 : vector<16xf32>
        %select_n3A_288 = arith.select %and3A_242, %add3A_287, %broadcast_in_dim3A_26 : vector<16xi1>, vector<16xf32>
        %eq3A_289 = arith.cmpf oeq, %select_n3A_276, %add3A_274 : vector<16xf32>
        %add3A_290 = arith.constant 0 : i32
        %add3A_291 = vector.broadcast %add3A_290 : i32 to vector<16xi32>
        %add3A_292 = arith.addi %iota3A, %add3A_291 : vector<16xi32>
        %broadcast_in_dim3A_293 = arith.constant 10000 : i32
        %broadcast_in_dim3A_294 = vector.broadcast %broadcast_in_dim3A_293 : i32 to vector<16xi32>
        %select_n3A_295 = arith.select %eq3A_289, %add3A_292, %broadcast_in_dim3A_294 : vector<16xi1>, vector<16xi32>
        %eq3A_296 = arith.cmpf oeq, %select_n3A_278, %add3A_274 : vector<16xf32>
        %add3A_297 = arith.constant 16 : i32
        %add3A_298 = vector.broadcast %add3A_297 : i32 to vector<16xi32>
        %add3A_299 = arith.addi %iota3A, %add3A_298 : vector<16xi32>
        %broadcast_in_dim3A_300 = arith.constant 10000 : i32
        %broadcast_in_dim3A_301 = vector.broadcast %broadcast_in_dim3A_300 : i32 to vector<16xi32>
        %select_n3A_302 = arith.select %eq3A_296, %add3A_299, %broadcast_in_dim3A_301 : vector<16xi1>, vector<16xi32>
        %eq3A_303 = arith.cmpf oeq, %select_n3A_280, %add3A_274 : vector<16xf32>
        %add3A_304 = arith.constant 32 : i32
        %add3A_305 = vector.broadcast %add3A_304 : i32 to vector<16xi32>
        %add3A_306 = arith.addi %iota3A, %add3A_305 : vector<16xi32>
        %broadcast_in_dim3A_307 = arith.constant 10000 : i32
        %broadcast_in_dim3A_308 = vector.broadcast %broadcast_in_dim3A_307 : i32 to vector<16xi32>
        %select_n3A_309 = arith.select %eq3A_303, %add3A_306, %broadcast_in_dim3A_308 : vector<16xi1>, vector<16xi32>
        %eq3A_310 = arith.cmpf oeq, %select_n3A_282, %add3A_274 : vector<16xf32>
        %add3A_311 = arith.constant 48 : i32
        %add3A_312 = vector.broadcast %add3A_311 : i32 to vector<16xi32>
        %add3A_313 = arith.addi %iota3A, %add3A_312 : vector<16xi32>
        %broadcast_in_dim3A_314 = arith.constant 10000 : i32
        %broadcast_in_dim3A_315 = vector.broadcast %broadcast_in_dim3A_314 : i32 to vector<16xi32>
        %select_n3A_316 = arith.select %eq3A_310, %add3A_313, %broadcast_in_dim3A_315 : vector<16xi1>, vector<16xi32>
        %eq3A_317 = arith.cmpf oeq, %select_n3A_284, %add3A_274 : vector<16xf32>
        %add3A_318 = arith.constant 64 : i32
        %add3A_319 = vector.broadcast %add3A_318 : i32 to vector<16xi32>
        %add3A_320 = arith.addi %iota3A, %add3A_319 : vector<16xi32>
        %broadcast_in_dim3A_321 = arith.constant 10000 : i32
        %broadcast_in_dim3A_322 = vector.broadcast %broadcast_in_dim3A_321 : i32 to vector<16xi32>
        %select_n3A_323 = arith.select %eq3A_317, %add3A_320, %broadcast_in_dim3A_322 : vector<16xi1>, vector<16xi32>
        %eq3A_324 = arith.cmpf oeq, %select_n3A_286, %add3A_274 : vector<16xf32>
        %add3A_325 = arith.constant 80 : i32
        %add3A_326 = vector.broadcast %add3A_325 : i32 to vector<16xi32>
        %add3A_327 = arith.addi %iota3A, %add3A_326 : vector<16xi32>
        %broadcast_in_dim3A_328 = arith.constant 10000 : i32
        %broadcast_in_dim3A_329 = vector.broadcast %broadcast_in_dim3A_328 : i32 to vector<16xi32>
        %select_n3A_330 = arith.select %eq3A_324, %add3A_327, %broadcast_in_dim3A_329 : vector<16xi1>, vector<16xi32>
        %eq3A_331 = arith.cmpf oeq, %select_n3A_288, %add3A_274 : vector<16xf32>
        %add3A_332 = arith.constant 96 : i32
        %add3A_333 = vector.broadcast %add3A_332 : i32 to vector<16xi32>
        %add3A_334 = arith.addi %iota3A, %add3A_333 : vector<16xi32>
        %broadcast_in_dim3A_335 = arith.constant 10000 : i32
        %broadcast_in_dim3A_336 = vector.broadcast %broadcast_in_dim3A_335 : i32 to vector<16xi32>
        %select_n3A_337 = arith.select %eq3A_331, %add3A_334, %broadcast_in_dim3A_336 : vector<16xi1>, vector<16xi32>
        %min3A_338 = arith.minsi %select_n3A_295, %select_n3A_302 : vector<16xi32>
        %min3A_339 = arith.minsi %select_n3A_309, %select_n3A_316 : vector<16xi32>
        %min3A_340 = arith.minsi %select_n3A_323, %select_n3A_330 : vector<16xi32>
        %min3A_341 = arith.minsi %min3A_338, %min3A_339 : vector<16xi32>
        %min3A_342 = arith.minsi %min3A_340, %select_n3A_337 : vector<16xi32>
        %min3A_343 = arith.minsi %min3A_341, %min3A_342 : vector<16xi32>
        %gather3A_344 = vector.shape_cast %broadcast_in_dim3A : vector<16x1xi32> to vector<16xi32>
        %gather3A_345 = tpu.dynamic_gather %min3A_343[%gather3A_344] in [0] : vector<16xi32>, vector<16xi32> -> vector<16xi32>
        %min3A_346 = arith.minsi %min3A_343, %gather3A_345 : vector<16xi32>
        %gather3A_347 = vector.shape_cast %broadcast_in_dim3A_10 : vector<16x1xi32> to vector<16xi32>
        %gather3A_348 = tpu.dynamic_gather %min3A_346[%gather3A_347] in [0] : vector<16xi32>, vector<16xi32> -> vector<16xi32>
        %min3A_349 = arith.minsi %min3A_346, %gather3A_348 : vector<16xi32>
        %gather3A_350 = vector.shape_cast %broadcast_in_dim3A_14 : vector<16x1xi32> to vector<16xi32>
        %gather3A_351 = tpu.dynamic_gather %min3A_349[%gather3A_350] in [0] : vector<16xi32>, vector<16xi32> -> vector<16xi32>
        %min3A_352 = arith.minsi %min3A_349, %gather3A_351 : vector<16xi32>
        %gather3A_353 = vector.shape_cast %broadcast_in_dim3A_18 : vector<16x1xi32> to vector<16xi32>
        %gather3A_354 = tpu.dynamic_gather %min3A_352[%gather3A_353] in [0] : vector<16xi32>, vector<16xi32> -> vector<16xi32>
        %min3A_355 = arith.minsi %min3A_352, %gather3A_354 : vector<16xi32>
        %add3A_356 = vector.broadcast %mul3A_149 : i32 to vector<16xi32>
        %add3A_357 = arith.addi %add3A_356, %min3A_355 : vector<16xi32>
        %gather3A_358 = tpu.vector_load_idx %arg10[%add3A_357] : memref<22400xf32, #tpu.memory_space<vmem>>[vector<16xi32>], vector<16xf32>,
        %add3A_359 = arith.addf %scan3A_140, %gather3A_358 : vector<16xf32>
        %gt3A = arith.constant 0 : i32
        %gt3A_360 = vector.broadcast %gt3A : i32 to vector<16xi32>
        %gt3A_361 = arith.cmpi sgt, %min3A_355, %gt3A_360 : vector<16xi32>
        %add3A_362 = arith.constant 0 : i32
        %add3A_363 = vector.broadcast %add3A_362 : i32 to vector<16xi32>
        %add3A_364 = arith.addi %iota3A, %add3A_363 : vector<16xi32>
        %eq3A_365 = arith.cmpi eq, %add3A_364, %min3A_355 : vector<16xi32>
        %and3A_366 = arith.andi %eq3A_365, %gt3A_361 : vector<16xi1>
        %select_n3A_367 = arith.select %and3A_366, %broadcast_in_dim3A_24, %scan3A_141 : vector<16xi1>, vector<16xi32>
        %add3A_368 = arith.constant 16 : i32
        %add3A_369 = vector.broadcast %add3A_368 : i32 to vector<16xi32>
        %add3A_370 = arith.addi %iota3A, %add3A_369 : vector<16xi32>
        %eq3A_371 = arith.cmpi eq, %add3A_370, %min3A_355 : vector<16xi32>
        %and3A_372 = arith.andi %eq3A_371, %gt3A_361 : vector<16xi1>
        %select_n3A_373 = arith.select %and3A_372, %broadcast_in_dim3A_24, %scan3A_142 : vector<16xi1>, vector<16xi32>
        %add3A_374 = arith.constant 32 : i32
        %add3A_375 = vector.broadcast %add3A_374 : i32 to vector<16xi32>
        %add3A_376 = arith.addi %iota3A, %add3A_375 : vector<16xi32>
        %eq3A_377 = arith.cmpi eq, %add3A_376, %min3A_355 : vector<16xi32>
        %and3A_378 = arith.andi %eq3A_377, %gt3A_361 : vector<16xi1>
        %select_n3A_379 = arith.select %and3A_378, %broadcast_in_dim3A_24, %scan3A_143 : vector<16xi1>, vector<16xi32>
        %add3A_380 = arith.constant 48 : i32
        %add3A_381 = vector.broadcast %add3A_380 : i32 to vector<16xi32>
        %add3A_382 = arith.addi %iota3A, %add3A_381 : vector<16xi32>
        %eq3A_383 = arith.cmpi eq, %add3A_382, %min3A_355 : vector<16xi32>
        %and3A_384 = arith.andi %eq3A_383, %gt3A_361 : vector<16xi1>
        %select_n3A_385 = arith.select %and3A_384, %broadcast_in_dim3A_24, %scan3A_144 : vector<16xi1>, vector<16xi32>
        %add3A_386 = arith.constant 64 : i32
        %add3A_387 = vector.broadcast %add3A_386 : i32 to vector<16xi32>
        %add3A_388 = arith.addi %iota3A, %add3A_387 : vector<16xi32>
        %eq3A_389 = arith.cmpi eq, %add3A_388, %min3A_355 : vector<16xi32>
        %and3A_390 = arith.andi %eq3A_389, %gt3A_361 : vector<16xi1>
        %select_n3A_391 = arith.select %and3A_390, %broadcast_in_dim3A_24, %scan3A_145 : vector<16xi1>, vector<16xi32>
        %add3A_392 = arith.constant 80 : i32
        %add3A_393 = vector.broadcast %add3A_392 : i32 to vector<16xi32>
        %add3A_394 = arith.addi %iota3A, %add3A_393 : vector<16xi32>
        %eq3A_395 = arith.cmpi eq, %add3A_394, %min3A_355 : vector<16xi32>
        %and3A_396 = arith.andi %eq3A_395, %gt3A_361 : vector<16xi1>
        %select_n3A_397 = arith.select %and3A_396, %broadcast_in_dim3A_24, %scan3A_146 : vector<16xi1>, vector<16xi32>
        %add3A_398 = arith.constant 96 : i32
        %add3A_399 = vector.broadcast %add3A_398 : i32 to vector<16xi32>
        %add3A_400 = arith.addi %iota3A, %add3A_399 : vector<16xi32>
        %eq3A_401 = arith.cmpi eq, %add3A_400, %min3A_355 : vector<16xi32>
        %and3A_402 = arith.andi %eq3A_401, %gt3A_361 : vector<16xi1>
        %select_n3A_403 = arith.select %and3A_402, %broadcast_in_dim3A_24, %scan3A_147 : vector<16xi1>, vector<16xi32>
        %broadcast_in_dim3A_404 = vector.broadcast %scan3A_139 : i32 to vector<16xi32>
        tpu.vector_store_idx %arg15[%broadcast_in_dim3A_404], %min3A_355 masked %eq3A_4 : memref<200xi32, #tpu.memory_space<vmem>>[vector<16xi32>], vector<16xi32>, vector<16xi1>
        scf.yield %add3A_359, %select_n3A_367, %select_n3A_373, %select_n3A_379, %select_n3A_385, %select_n3A_391, %select_n3A_397, %select_n3A_403 : vector<16xf32>, vector<16xi32>, vector<16xi32>, vector<16xi32>, vector<16xi32>, vector<16xi32>, vector<16xi32>, vector<16xi32>
      }
      %scan3A_136 = arith.constant 200 : i32
      %broadcast_in_dim3A_137 = vector.broadcast %add3A_128 : i32 to vector<16xi32>
      tpu.vector_store_idx %arg14[%broadcast_in_dim3A_137], %scan3A_135#0 masked %eq3A_4 : memref<32xf32, #tpu.memory_space<vmem>>[vector<16xi32>], vector<16xf32>, vector<16xi1>
      "tpu.region"() ({
        %run_scoped3A = tpu.sem_alloc : memref<!tpu.dma_semaphore, #tpu.memory_space<semaphore_mem>>
        %dma_start3A_139 = arith.constant 0 : i32
        %dma_start3A_140 = tpu.memref_slice %arg7[%add3A_63, %dma_start3A_139] : memref<1024x200xi32, #tpu.memory_space<hbm>> -> memref<1x200xi32, #tpu.memory_space<hbm>>
        %dma_start3A_141 = tpu.memref_squeeze %dma_start3A_140 : memref<1x200xi32, #tpu.memory_space<hbm>> -> memref<200xi32, #tpu.memory_space<hbm>>
        %dma_start3A_142 = arith.constant 0 : i32
        %dma_start3A_143 = tpu.memref_slice %arg7[%add3A_63, %dma_start3A_142] : memref<1024x200xi32, #tpu.memory_space<hbm>> -> memref<1x200xi32, #tpu.memory_space<hbm>>
        %dma_start3A_144 = tpu.memref_squeeze %dma_start3A_143 : memref<1x200xi32, #tpu.memory_space<hbm>> -> memref<200xi32, #tpu.memory_space<hbm>>
        tpu.enqueue_dma source(%arg15 : memref<200xi32, #tpu.memory_space<vmem>>) target(%dma_start3A_144 : memref<200xi32, #tpu.memory_space<hbm>>) target_semaphore(%run_scoped3A : memref<!tpu.dma_semaphore, #tpu.memory_space<semaphore_mem>>)
        %dma_wait3A_145 = arith.constant 0 : i32
        %dma_wait3A_146 = tpu.memref_slice %arg7[%add3A_63, %dma_wait3A_145] : memref<1024x200xi32, #tpu.memory_space<hbm>> -> memref<1x200xi32, #tpu.memory_space<hbm>>
        %dma_wait3A_147 = tpu.memref_squeeze %dma_wait3A_146 : memref<1x200xi32, #tpu.memory_space<hbm>> -> memref<200xi32, #tpu.memory_space<hbm>>
        %dma_wait3A_148 = arith.constant 0 : i32
        %dma_wait3A_149 = tpu.memref_slice %arg7[%add3A_63, %dma_wait3A_148] : memref<1024x200xi32, #tpu.memory_space<hbm>> -> memref<1x200xi32, #tpu.memory_space<hbm>>
        %dma_wait3A_150 = tpu.memref_squeeze %dma_wait3A_149 : memref<1x200xi32, #tpu.memory_space<hbm>> -> memref<200xi32, #tpu.memory_space<hbm>>
        tpu.wait_dma2 semaphore(%run_scoped3A : memref<!tpu.dma_semaphore, #tpu.memory_space<semaphore_mem>>) src(%arg15 : memref<200xi32, #tpu.memory_space<vmem>>) dst(%dma_wait3A_150 : memref<200xi32, #tpu.memory_space<hbm>>)
        tpu.yield
      }) : () -> ()
      %scan3A_138 = arith.constant 0 : i32
      scf.yield %scan3A_138 : i32
    }
    %scan3A_43 = arith.constant 16 : i32
    %dma_wait3A = arith.constant 1023 : i32
    %dma_wait3A_44 = arith.constant 0 : i32
    %dma_wait3A_45 = tpu.memref_slice %arg2[%dma_wait3A, %dma_wait3A_44] : memref<1024x22400xf32, #tpu.memory_space<hbm>> -> memref<1x22400xf32, #tpu.memory_space<hbm>>
    %dma_wait3A_46 = tpu.memref_squeeze %dma_wait3A_45 : memref<1x22400xf32, #tpu.memory_space<hbm>> -> memref<22400xf32, #tpu.memory_space<hbm>>
    %dma_wait3A_47 = arith.constant 0 : i32
    %dma_wait3A_48 = tpu.memref_slice %arg2[%dma_wait3A, %dma_wait3A_47] : memref<1024x22400xf32, #tpu.memory_space<hbm>> -> memref<1x22400xf32, #tpu.memory_space<hbm>>
    %dma_wait3A_49 = tpu.memref_squeeze %dma_wait3A_48 : memref<1x22400xf32, #tpu.memory_space<hbm>> -> memref<22400xf32, #tpu.memory_space<hbm>>
    tpu.wait_dma2 semaphore(%arg16 : memref<!tpu.dma_semaphore, #tpu.memory_space<semaphore_mem>>) src(%dma_wait3A_49 : memref<22400xf32, #tpu.memory_space<hbm>>) dst(%arg8 : memref<22400xf32, #tpu.memory_space<vmem>>)
    %dma_wait3A_50 = arith.constant 1023 : i32
    %dma_wait3A_51 = arith.constant 0 : i32
    %dma_wait3A_52 = tpu.memref_slice %arg3[%dma_wait3A_50, %dma_wait3A_51] : memref<1024x22400xf32, #tpu.memory_space<hbm>> -> memref<1x22400xf32, #tpu.memory_space<hbm>>
    %dma_wait3A_53 = tpu.memref_squeeze %dma_wait3A_52 : memref<1x22400xf32, #tpu.memory_space<hbm>> -> memref<22400xf32, #tpu.memory_space<hbm>>
    %dma_wait3A_54 = arith.constant 0 : i32
    %dma_wait3A_55 = tpu.memref_slice %arg3[%dma_wait3A_50, %dma_wait3A_54] : memref<1024x22400xf32, #tpu.memory_space<hbm>> -> memref<1x22400xf32, #tpu.memory_space<hbm>>
    %dma_wait3A_56 = tpu.memref_squeeze %dma_wait3A_55 : memref<1x22400xf32, #tpu.memory_space<hbm>> -> memref<22400xf32, #tpu.memory_space<hbm>>
    tpu.wait_dma2 semaphore(%arg17 : memref<!tpu.dma_semaphore, #tpu.memory_space<semaphore_mem>>) src(%dma_wait3A_56 : memref<22400xf32, #tpu.memory_space<hbm>>) dst(%arg9 : memref<22400xf32, #tpu.memory_space<vmem>>)
    "tpu.region"() ({
      %run_scoped3A = tpu.sem_alloc : memref<!tpu.dma_semaphore, #tpu.memory_space<semaphore_mem>>
      %dma_start3A_57 = tpu.memref_slice %arg6[%mul3A_2] : memref<1024xf32, #tpu.memory_space<hbm>> -> memref<32xf32, #tpu.memory_space<hbm>>
      %dma_start3A_58 = tpu.memref_slice %arg6[%mul3A_2] : memref<1024xf32, #tpu.memory_space<hbm>> -> memref<32xf32, #tpu.memory_space<hbm>>
      tpu.enqueue_dma source(%arg14 : memref<32xf32, #tpu.memory_space<vmem>>) target(%dma_start3A_58 : memref<32xf32, #tpu.memory_space<hbm>>) target_semaphore(%run_scoped3A : memref<!tpu.dma_semaphore, #tpu.memory_space<semaphore_mem>>)
      %dma_wait3A_59 = tpu.memref_slice %arg6[%mul3A_2] : memref<1024xf32, #tpu.memory_space<hbm>> -> memref<32xf32, #tpu.memory_space<hbm>>
      %dma_wait3A_60 = tpu.memref_slice %arg6[%mul3A_2] : memref<1024xf32, #tpu.memory_space<hbm>> -> memref<32xf32, #tpu.memory_space<hbm>>
      tpu.wait_dma2 semaphore(%run_scoped3A : memref<!tpu.dma_semaphore, #tpu.memory_space<semaphore_mem>>) src(%arg14 : memref<32xf32, #tpu.memory_space<vmem>>) dst(%dma_wait3A_60 : memref<32xf32, #tpu.memory_space<hbm>>)
      tpu.yield
    }) : () -> ()
    return
  }
}

</mosaic_0001>

<sc_bundles>
// kernel: _run.3.cloned.1.call-start
scs
__scs_entry_jumppad:
0x0: {  	(pc) =	sbr.rel $0x88, $3  }
0x1: {  	(tag) =	ssettag $0x0;
	lr =	simm.s32 $0x1  }
0x2: {  	[smem:$0x3F9D] =	sst lr;
	_ =	strace $0xD0000000  }
0x3: {  	_ = 	snop  }
0x4: {  	_ = 	snop  }
0x5: {  	_ = 	snop  }
0x6: {  	_ = 	snop  }
0x7: {  	_ = 	snop  }
__scs_overlays_trampoline_lowered:
0x8: {  	[smem:$0x3FAC] =	sst s0  }
0x9: {  	[smem:$0x3FAD] =	sst s1  }
0xa: {  	[smem:$0x3FAE] =	sst s2  }
0xb: {  	[smem:$0x3FAF] =	sst s3  }
0xc: {  	[smem:$0x3FB0] =	sst s4  }
0xd: {  	[smem:$0x3FB1] =	sst s5  }
0xe: {  	[smem:$0x3FB2] =	sst s6  }
0xf: {  	[smem:$0x3FB3] =	sst s7  }
0x10: {  	[smem:$0x3FB4] =	sst s8  }
0x11: {  	[smem:$0x3FB5] =	sst s9;
	s0 =	simm.s32 @!p0 $0x0  }
0x12: {  	s1 =	sld [smem:$0x3F9B];
	s0 =	simm.s32 @p0 $0x1  }
0x13: {  	[smem:$0x3FB6] =	sst s0;
	s0 =	simm.s32 @!p1 $0x0  }
0x14: {  	s2 =	sld [smem:$0x3F9A];
	s0 =	simm.s32 @p1 $0x1  }
0x15: {  	[smem:$0x3FB7] =	sst s0;
	s0 =	simm.s32 @!p2 $0x0  }
0x16: {  	s3 =	sld [smem:$0x3FDB];
	s0 =	simm.s32 @p2 $0x1  }
0x17: {  	s4 =	simm.s32 $0x1BF5;
	[smem:$0x3FB9] =	sst s0  }
0x18: {  	s0 =	sld [smem:$0x3F9C];
	_ =	swait.ge [sflag:s4], $0x0  }
0x19: {  	s7 =	sld [smem:$0x3F9D]  }
0x1a: {  	s8 =	sadd.s32 $0xFFFFE003, lr  }
0x1b: {  	s9 =	sadd.s32 $0xFFFFFEF7, lr;
	s5 =	simm.s32 $0xFFFFFFFF;
	p2 =	slt.u32 s8, $0xFFFFF086  }
0x1c: {  	p1 =	slt.u32 s9, $0xF7A;
	s5 =	simm.s32 @!p2 $0x0  }
0x1d: {  	s5 =	simm.s32 @p1 $0x1;
	p0 =	seq.s32 s7, s2  }
0x1e: {  	s7 =	smul.u32 @!p0 $0xF7A, s2;
	p2 =	seq.s32 @!p0 s5, $0x0  }
0x1f: {  	s9 =	smul.u32 $0xF7A, s1;
	s8 =	simm.s32 @!p0 $0x1BF5;
	p2 =	por !p2, p0  }
0x20: {  	[sflag:s8] =	ssyncset.s32 @!p0 $0xFFFFF086;
	s6 =	sadd.s32 @!p0 s3, s7;
	s7 =	simm.s32 @!p0 $0x108  }
0x21: {  	s3 =	sadd.s32 s3, s9;
	s6 =	sadd.s32 @!p0 $0x88, s6;
	s7 =	simm.s32 @p2 $0x1082  }
0x22: {  	[simem:s7], [sflag:s8] =	dma.local @!p0 [hbm:s6], $0xF7A  }
0x23: {  	s9 =	sor.u32 $0xD0000000, s2;
	s6 =	simm.s32 $0x108;
	_ =	swait.ge @!p0 [sflag:s8], $0x0  }
0x24: {  	s3 =	sadd.s32 $0x88, s3;
	s6 =	simm.s32 @!p1 $0x1082;
	[sflag:s4] =	ssyncset.s32 $0xFFFFF086  }
0x25: {  	[simem:s6], [sflag:s4] =	dma.local [hbm:s3], $0xF7A  }
0x26: {  	[smem:$0x3F9D] =	sst s1;
	(tag) =	ssettag s2;
	_ =	strace s9  }
0x27: {  	s1 =	sld [smem:$0x3FAD]  }
0x28: {  	s2 =	sld [smem:$0x3FAE]  }
0x29: {  	s4 =	sld [smem:$0x3FB0]  }
0x2a: {  	p0 =	seq.s32 s5, $0x0;
	s5 =	sld [smem:$0x3FB1]  }
0x2b: {  	s6 =	sld [smem:$0x3FB2]  }
0x2c: {  	s7 =	sld [smem:$0x3FB3]  }
0x2d: {  	s3 =	simm.s32 $0x108;
	s8 =	sld [smem:$0x3FB4]  }
0x2e: {  	s3 =	simm.s32 @!p0 $0x1082;
	s9 =	sld [smem:$0x3FB5]  }
0x2f: {  	lr =	sadd.s32 s0, s3;
	s0 =	sld [smem:$0x3FAC]  }
0x30: {  	s3 =	sld [smem:$0x3FAF]  }
0x31: {  	[smem:$0x3FB8] =	sst s10  }
0x32: {  	s10 =	sld [smem:$0x3FB6];
	_ =	sdelay $0x3  }
0x33: {  	p0 =	seq.s32 s10, $0x1;
	s10 =	sld [smem:$0x3FB8];
	_ =	sdelay $0x3  }
0x34: {  	[smem:$0x3FB8] =	sst s10  }
0x35: {  	s10 =	sld [smem:$0x3FB7];
	_ =	sdelay $0x3  }
0x36: {  	p1 =	seq.s32 s10, $0x1;
	s10 =	sld [smem:$0x3FB8];
	_ =	sdelay $0x3  }
0x37: {  	[smem:$0x3FB8] =	sst s10  }
0x38: {  	s10 =	sld [smem:$0x3FB9]  }
0x39: {  	_ = 	snop;
	(pc) =	sbr.ind lr, $3  }
0x3a: {  	_ = 	snop  }
0x3b: {  	_ = 	snop  }
0x3c: {  	p2 =	seq.s32 s10, $0x1;
	s10 =	sld [smem:$0x3FB8]  }
0x3d: {  	_ =	shalt  }
0x3e: {  	_ =	shalt  }
0x3f: {  	_ =	shalt  }
0x40: {  	_ =	shalt  }
0x41: {  	_ =	shalt  }
0x42: {  	_ =	shalt  }
0x43: {  	_ =	shalt  }
0x44: {  	_ =	shalt  }
0x45: {  	_ =	shalt  }
0x46: {  	_ =	shalt  }
0x47: {  	_ =	shalt  }
0x48: {  	_ =	shalt  }
0x49: {  	_ =	shalt  }
0x4a: {  	_ =	shalt  }
0x4b: {  	_ =	shalt  }
0x4c: {  	_ =	shalt  }
0x4d: {  	_ =	shalt  }
0x4e: {  	_ =	shalt  }
0x4f: {  	_ =	shalt  }
0x50: {  	_ =	shalt  }
0x51: {  	_ =	shalt  }
0x52: {  	_ =	shalt  }
0x53: {  	_ =	shalt  }
0x54: {  	_ =	shalt  }
0x55: {  	_ =	shalt  }
0x56: {  	_ =	shalt  }
0x57: {  	_ =	shalt  }
0x58: {  	_ =	shalt  }
0x59: {  	_ =	shalt  }
0x5a: {  	_ =	shalt  }
0x5b: {  	_ =	shalt  }
0x5c: {  	_ =	shalt  }
0x5d: {  	_ =	shalt  }
0x5e: {  	_ =	shalt  }
0x5f: {  	_ =	shalt  }
0x60: {  	_ =	shalt  }
0x61: {  	_ =	shalt  }
0x62: {  	_ =	shalt  }
0x63: {  	_ =	shalt  }
0x64: {  	_ =	shalt  }
0x65: {  	_ =	shalt  }
0x66: {  	_ =	shalt  }
0x67: {  	_ =	shalt  }
0x68: {  	_ =	shalt  }
0x69: {  	_ =	shalt  }
0x6a: {  	_ =	shalt  }
0x6b: {  	_ =	shalt  }
0x6c: {  	_ =	shalt  }
0x6d: {  	_ =	shalt  }
0x6e: {  	_ =	shalt  }
0x6f: {  	_ =	shalt  }
0x70: {  	_ =	shalt  }
0x71: {  	_ =	shalt  }
0x72: {  	_ =	shalt  }
0x73: {  	_ =	shalt  }
0x74: {  	_ =	shalt  }
0x75: {  	_ =	shalt  }
0x76: {  	_ =	shalt  }
0x77: {  	_ =	shalt  }
0x78: {  	_ =	shalt  }
0x79: {  	_ =	shalt  }
0x7a: {  	_ =	shalt  }
0x7b: {  	_ =	shalt  }
0x7c: {  	_ =	shalt  }
0x7d: {  	_ =	shalt  }
0x7e: {  	_ =	shalt  }
0x7f: {  	_ =	shalt  }
0x80: {  	_ =	shalt  }
0x81: {  	_ =	shalt  }
0x82: {  	_ =	shalt  }
0x83: {  	_ =	shalt  }
0x84: {  	_ =	shalt  }
0x85: {  	_ =	shalt  }
0x86: {  	_ =	shalt  }
0x87: {  	_ =	shalt  }
.Lfunc_end0:
.L_simem_size_0:
called_computation_lowered:
.L_overlay_start_0:
0x88: {  	s2 =	sld [smem:$0x3FD9]  }
0x89: {  	s3 =	sld [smem:$0x3FFE];
	_ =	sdelay $0x1  }
0x8a: {  	s1 =	srdreg.scid  }
0x8b: {  	s0 =	sand.u32 $0x1, s1  }
0x8c: {  	s14 =	sshll.u32 s0, $0xA;
	s2 =	sadd.s32 s3, s2  }
0x8d: {  	s2 =	sadd.s32 s2, s14  }
0x8e: {  	[smem:$0x3FC4] =	sst s2  }
0x8f: {  	_ = 	snop  }
0x90: {  	s2 =	sld [smem:$0x3FC9]  }
0x91: {  	s15 =	sld [smem:$0x3FD0]  }
0x92: {  	s4 =	sld [smem:$0x3FC8]  }
0x93: {  	s5 =	sld [smem:$0x3FC7]  }
0x94: {  	s7 =	simm.s32 $0xA;
	s8 =	simm.s32 $0x10;
	s6 =	sld [smem:$0x3FC6]  }
0x95: {  	[smem:s8], [sflag:s7] =	dma.local [hbm:s15], $0x1  }
0x96: {  	_ =	swait.eq [sflag:s7], $0x1  }
0x97: {  	[sflag:s7] =	ssyncset.done $0x0  }
0x98: {  	[sflag:s7] =	ssyncadd.s32 $0xFFFFFFFF  }
0x99: {  	s16 =	sld [smem:$0x10];
	(tm) =	ssettm $0x1  }
0x9a: {  	s17 =	sld [smem:$0x3FFB];
	_ =	sdelay $0x3  }
0x9b: {  	_ =	strace s17  }
0x9c: {  	s7 =	sld [smem:$0x3FFC];
	_ =	sdelay $0x3  }
0x9d: {  	_ =	strace s7  }
0x9e: {  	s7 =	sld [smem:$0x3FFD];
	_ =	sdelay $0x3  }
0x9f: {  	_ =	strace s7  }
0xa0: {  	_ =	strace $0x8FFFFFFF  }
0xa1: {  	s18 =	sld [smem:$0x3FDB];
	_ =	sdelay $0x1  }
0xa2: {  	s19 =	simm.s32 $_scs_section_size  }
0xa3: {  	s9 =	simm.s32 $_size__tile_overlayer_lowered;
	s10 =	simm.s32 $_tile_overlayer_lowered  }
0xa4: {  	s22 =	simm.s32 $0x1BFF;
	s21 =	sshll.u32 s10, $0x1;
	s7 =	sadd.s32 s19, s18  }
0xa5: {  	s11 =	simm.s32 $0x0;
	s20 =	sshll.u32 s9, $0x1;
	s9 =	sadd.s32 s21, s7  }
0xa6: {  	[timem:s11], [sflag:s22] =	dma.local [hbm:s9], s20  }
0xa7: {  	_ =	swait.ge [sflag:s22], s20  }
0xa8: {  	s8 =	ssub.s32 $0x0, s20;
	[sflag:s22] =	ssyncset.done $0x0  }
0xa9: {  	[sflag:s22] =	ssyncadd.s32 s8;
	_ =	sdelay $0x1  }
0xaa: {  	s23 =	simm.s32 $0x1B8B  }
0xab: {  	_ =	swait.ge [sflag:s23], $0x1  }
0xac: {  	[sflag:s23] =	ssyncset.done $0x0  }
0xad: {  	s25 =	simm.s32 $0x1B8E;
	s24 =	sld [smem:$0x3FFE];
	[sflag:s23] =	ssyncadd.s32 $0xFFFFFFFF  }
0xae: {  	s26 =	simm.s32 $execute0_lowered;
	[smem:$0x3FD2] =	sst s25  }
0xaf: {  	s9 =	sshll.u32 s26, $0x1;
	_ =	strace $0x80000046;
	[dreg:$0x1] =	wrdreg $0xFFFFFFFF  }
0xb0: {  	s28 =	simm.s32 $_size_execute0_lowered;
	s7 =	sadd.s32 s7, s9;
	[dreg:$0x0] =	wrdreg $0x0  }
0xb1: {  	s9 =	sshll.u32 s28, $0x1;
	[dreg:$0x2] =	wrdreg s7  }
0xb2: {  	[dreg:$0x3] =	wrdreg s9  }
0xb3: {  	[dreg:$0x4] =	wrdreg $0xC0  }
0xb4: {  	_ =	task [dreg:s11], $0x5FFFF  }
0xb5: {  	[dreg:$0x1] =	wrdreg $0xFFFFFFFF  }
0xb6: {  	[dreg:$0x0] =	wrdreg $0x60  }
0xb7: {  	[dreg:$0x2] =	wrdreg s2  }
0xb8: {  	[dreg:$0x3] =	wrdreg s4  }
0xb9: {  	[dreg:$0x4] =	wrdreg s5  }
0xba: {  	[dreg:$0x5] =	wrdreg s6  }
0xbb: {  	[dreg:$0x6] =	wrdreg s16  }
0xbc: {  	[dreg:$0x7] =	wrdreg s24  }
0xbd: {  	[dreg:$0x8] =	wrdreg $0x9  }
0xbe: {  	_ =	task.clear_ibuf [dreg:s11], $0x9FFFF;
	_ =	strace $0x90000046  }
0xbf: {  	s29 =	simm.s32 $0x9;
	_ =	strace $0x80000048  }
0xc0: {  	_ =	swait.ge [sflag:s29], $0x1  }
0xc1: {  	[sflag:s29] =	ssyncadd.s32 $0xFFFFFFFF  }
0xc2: {  	_ =	strace $0x90000048  }
0xc3: {  	_ =	sfence  }
0xc4: {  	s30 =	sld [smem:$0x0];
	_ =	sdelay $0x2  }
0xc5: {  	s31 =	sshll.u32 s1, $0xD;
	s1 =	sshrl.u32 s1, $0x2  }
0xc6: {  	s3 =	sand.u32 $0x4000, s31;
	s1 =	sadd.s32 s1, s30  }
0xc7: {  	s0 =	sor.u32 s3, s0;
	s1 =	sshll.u32 s1, $0x11  }
0xc8: {  	s0 =	sor.u32 s1, s0  }
0xc9: {  	s0 =	sadd.s32 $0x8F2B, s0  }
0xca: {  	[sflag:s0] =	ssyncadd.remote.s32 $0x1  }
0xcb: {  	_ =	sfence.sel $0xFFFF  }
0xcc: {  	[dreg:$0x0] =	wrdreg $0xFFFFFFFF;
	(pc) =	sbr.abs _section_cstart, $3  }
0xcd: {  	[dreg:$0x1] =	wrdreg $0xFFFFFFFF  }
0xce: {  	_ =	task.clear_ibuf [dreg:s11], $0x2FFFF;
	_ =	strace $0x9FFFFFFF  }
0xcf: {  	(tm) =	ssettm $0x7FFFFFFF  }
tec
execute0_lowered:
.L_overlay_start_1:
0x0: {  	(tag) =	ssettag $0x1  }
0x1: {  	s0 =	rddreg [dreg:$0x0]  }
0x2: {  	s1 =	rddreg [dreg:$0x1]  }
0x3: {  	v0 =	vimm.s32 $0xFEDCBA98;
	s2 =	rddreg [dreg:$0x2];
	s3 =	srdreg.scid  }
0x4: {  	v1 =	vimm.s32 $0x76543210;
	s5 =	stileid.u32;
	s4 =	rddreg [dreg:$0x4];
	v2 =	vimm.s32 $0xBA98FEDC;
	v3 =	vimm.s32 $0x32107654  }
0x5: {  	v4 =	vimm.s32 $0xDCFE98BA;
	s7 =	rddreg [dreg:$0x5];
	v5 =	vimm.s32 $0x54761032;
	s13 =	simm.s32 $0x15E00;
	s14 =	simm.s32 $0x5  }
0x6: {  	v6 =	vimm.s32 $0xEFCDAB89;
	v7 =	vimm.s32 $0x67452301;
	s15 =	simm.s32 $0x15E80;
	s16 =	simm.s32 $0x80;
	s17 =	simm.s32 $0x400  }
0x7: {  	s18 =	simm.s32 $0x5780;
	s19 =	simm.s32 $0x1;
	s20 =	simm.s32 $0x2;
	v0 =	vunpack.c.l.s4.s8 v0;
	v1 =	vunpack.c.l.s4.s8 v1;
	v2 =	vunpack.c.l.s4.s8 v2  }
0x8: {  	s21 =	simm.s32 $0xAF00;
	s22 =	simm.s32 $0x10680;
	s3 =	sand.u32 $0x1, s3;
	v3 =	vunpack.c.l.s4.s8 v3;
	v4 =	vunpack.c.l.s4.s8 v4;
	v5 =	vunpack.c.l.s4.s8 v5  }
0x9: {  	s23 =	simm.s32 $0x15F80;
	s5 =	sshll.u32 s5, $0x6;
	v6 =	vunpack.c.l.s4.s8 v6;
	v7 =	vunpack.c.l.s4.s8 v7;
	s6 =	sshll.u32 s3, $0x5;
	v0 =	vunpack.c.0.s8.s32 v0  }
0xa: {  	s3 =	ssub.s32 $0x2, s3;
	s5 =	sor.u32 s6, s5;
	s6 =	simm.s32 $0x0;
	v2 =	vunpack.c.0.s8.s32 v2;
	v3 =	vunpack.c.0.s8.s32 v3;
	v4 =	vunpack.c.0.s8.s32 v4  }
0xb: {  	s10 =	sshrl.u32 s3, $0x1;
	v5 =	vunpack.c.0.s8.s32 v5;
	v6 =	vunpack.c.0.s8.s32 v6;
	v7 =	vunpack.c.0.s8.s32 v7;
	s8 =	sshrl.u32 s5, $0x3;
	[smem:$0x7FF] =	sst s6  }
0xc: {  	v1 =	vunpack.c.0.s8.s32 v1;
	s3 =	ssub.s32 s3, s10;
	s9 =	smul.u32 $0x5780, s8;
	s2 =	sadd.s32 s2, s8;
	v2 =	vcombine.low v3, v2  }
0xd: {  	_ =	strace $0x80000047;
	s30 =	sadd.s32 s4, s8;
	v0 =	vand.u32 $0xF, v0;
	v3 =	vcombine.low v5, v4;
	v4 =	vcombine.low v7, v6;
	[dreg:$0x7] =	wrdreg s2  }
0xe: {  	s24 =	simm.s32 $0x15F00;
	vm0 =	vcmask $0x3F04;
	s31 =	smax.u32 s3, $0x1;
	[dreg:$0xa] =	wrdreg s30;
	v0 =	vcombine.low v0, v1;
	v1 =	vand.u32 $0xF, v2  }
0xf: {  	s25 =	simm.s32 $0x3;
	[dreg:$0xb] =	wrdreg s31;
	s28 =	sadd.s32 s0, s9;
	v2 =	vlaneseq.u32;
	v3 =	vand.u32 $0xF, v3;
	v4 =	vand.u32 $0xF, v4  }
0x10: {  	s26 =	simm.s32 $0x4;
	s29 =	sadd.s32 s1, s9;
	[dreg:$0x8] =	wrdreg s28;
	v5 =	vor.u32 $0x60, v2;
	v6 =	vor.u32 $0x50, v2;
	v7 =	vor.u32 $0x40, v2  }
0x11: {  	s7 =	sadd.s32 $0x800, s7;
	s3 =	simm.s32 $0x0;
	[dreg:$0x9] =	wrdreg s29;
	v8 =	vor.u32 $0x30, v2;
	v9 =	vor.u32 $0x20, v2;
	v10 =	vor.u32 $0x10, v2  }
.LBB2_1:
0x12: {  	[dreg:$0xc] =	wrdreg s3  }
0x13: {  	s2 =	rddreg [dreg:$0x7]  }
0x14: {  	[tilespmem:s13], [sflag:$0x5] =	stream.linear.gather [hbm4b:s2+s6], $0x20, $0x38;
	[tilespmem:$0x16080] =	vst v63  }
0x15: {  	_ =	swait.ge [sflag:s14], $0x20  }
0x16: {  	[sflag:s14] =	ssyncset.done $0x0  }
0x17: {  	[sflag:s14] =	ssyncadd.s32 $0xFFFFFFE0  }
0x18: {  	s28 =	rddreg [dreg:$0x3]  }
0x19: {  	[tilespmem:s15], [sflag:$0x5] =	stream.linear.gather [hbm4b:s28+s6], $0x80, $0x38;
	[tilespmem:$0x16080] =	vst v63  }
0x1a: {  	_ =	swait.ge [sflag:s14], $0x80  }
0x1b: {  	[sflag:s14] =	ssyncset.done $0x0  }
0x1c: {  	s30 =	rddreg [dreg:$0x8];
	[sflag:s14] =	ssyncadd.s32 $0xFFFFFF80  }
0x1d: {  	[tilespmem:s6], [sflag:$0x1] =	stream.strided.gather [hbm4b:s30+s16], $0x5780, s17, s16, $0x38;
	[tilespmem:$0x16080] =	vst v63  }
0x1e: {  	s29 =	simm.s32 $0x0;
	s31 =	rddreg [dreg:$0x9]  }
0x1f: {  	[tilespmem:s18], [sflag:$0x2] =	stream.strided.gather [hbm4b:s31+s16], $0x5780, s17, s16, $0x38;
	[tilespmem:$0x16080] =	vst v63  }
.LBB2_2:
0x20: {  	s4 =	sshll.u32 s29, $0x1  }
0x21: {  	s2 =	sor.u32 s5, s4  }
0x22: {  	_ =	swait.ge [sflag:s19], $0x5780;
	s3 =	sshll.u32 s29, $0x8;
	s30 =	sshrl.u32 s2, $0x3  }
0x23: {  	[sflag:s19] =	ssyncset.done $0x0;
	s3 =	sand.u32 $0x300, s3;
	s8 =	smul.u32 $0x2BC00, s30  }
0x24: {  	v11 =	vmov s4;
	[sflag:s19] =	ssyncadd.s32 $0xFFFFA880;
	s31 =	sor.u32 $0x80, s3  }
0x25: {  	v11 =	vbroadcast v11, $0x0;
	_ =	swait.ge [sflag:s20], $0x5780;
	s3 =	sor.u32 s31, s8  }
0x26: {  	[sflag:s20] =	ssyncset.done $0x0;
	s3 =	sshrl.u32 s3, $0x3  }
0x27: {  	[sflag:s20] =	ssyncadd.s32 $0xFFFFA880;
	s12 =	sadd.s32 s0, s3  }
0x28: {  	[tilespmem:s21], [sflag:$0x3] =	stream.strided.gather [hbm4b:s12+s16], $0x5780, s17, s16, $0x38;
	[tilespmem:$0x16080] =	vst v63  }
0x29: {  	s3 =	sadd.s32 s1, s3  }
0x2a: {  	[tilespmem:s22], [sflag:$0x4] =	stream.strided.gather [hbm4b:s3+s16], $0x5780, s17, s16, $0x38;
	[tilespmem:$0x16080] =	vst v63  }
0x2b: {  	s28 =	simm.s32 $0x30;
	v12 =	vld.idx.msk [tilespmem:v11+s13+$0x0], $0xffff  }
0x2c: {  	v14 =	vld [tilespmem:s28+$0x20]  }
0x2d: {  	v16 =	vld [tilespmem:s28+$0x0]  }
0x2e: {  	v17 =	vld [tilespmem:s28+$0xFFFFFFD0]  }
0x2f: {  	v18 =	vld [tilespmem:s28+$0x10]  }
0x30: {  	v20 =	vld [tilespmem:s28+$0xFFFFFFF0]  }
0x31: {  	s3 =	simm.s32 $0x57B0;
	v19 =	vld [tilespmem:s28+$0xFFFFFFE0]  }
0x32: {  	v15 =	vld [tilespmem:s3+$0xFFFFFFD0]  }
0x33: {  	v13 =	vimm.s32 $0x0;
	v22 =	vld [tilespmem:s3+$0x0]  }
0x34: {  	vm7 =	veq.s32 v13, $0x0;
	v23 =	vld [tilespmem:s3+$0xFFFFFFF0];
	vm1 =	vge.f32 v14, v12;
	vm2 =	vge.f32 v17, v12  }
0x35: {  	v17 =	vld [tilespmem:s3+$0xFFFFFFE0];
	vm3 =	vge.f32 v16, v12;
	vm6 =	vge.f32 v18, v12;
	vm8 =	vge.f32 v20, v12  }
0x36: {  	v16 =	vld [tilespmem:s28+$0x30];
	vm4 =	vmand vm7, vm1;
	vm1 =	vmand vm7, vm2;
	vm2 =	vge.f32 v19, v12  }
0x37: {  	v21 =	vld [tilespmem:s3+$0x20];
	vm5 =	vmand vm7, vm3;
	vm3 =	vmand vm7, vm8;
	vm6 =	vmand vm7, vm6  }
0x38: {  	v18 =	vld [tilespmem:s3+$0x10];
	v14 =	vnsel vm1, $0xF149F2CA, v15;
	vm2 =	vmand vm7, vm2;
	v19 =	vmpcnt.ones.xlane vm1  }
0x39: {  	v25 =	vnsel vm5, $0xF149F2CA, v22;
	v26 =	vmpcnt.ones.xlane vm5;
	v20 =	vmpcnt.ones.xlane vm2  }
0x3a: {  	v27 =	vld [tilespmem:s3+$0x30];
	v28 =	vnsel vm3, $0xF149F2CA, v23;
	v29 =	vmpcnt.ones.xlane vm3;
	v24 =	vnsel vm2, $0xF149F2CA, v17  }
0x3b: {  	v19 =	vadd.s32 v19, v20;
	v20 =	vmpcnt.ones.xlane vm6;
	vm15 =	vge.f32 v16, v12  }
0x3c: {  	v14 =	vmax.f32 v14, v24;
	v16 =	vadd.s32 v29, v19;
	v19 =	vmax.f32 v28, v25  }
0x3d: {  	v24 =	vnsel vm6, $0xF149F2CA, v18;
	vm7 =	vmand vm7, vm15;
	v25 =	vnsel vm4, $0xF149F2CA, v21  }
0x3e: {  	v16 =	vadd.s32 v26, v16;
	v24 =	vmax.f32 v24, v25;
	v25 =	vmpcnt.ones.xlane vm4  }
0x3f: {  	v26 =	vnsel vm7, $0xF149F2CA, v27;
	v16 =	vadd.s32 v20, v16;
	v20 =	vmpcnt.ones.xlane vm7  }
0x40: {  	v14 =	vmax.f32 v14, v19;
	v19 =	vmax.f32 v24, v26;
	v16 =	vadd.s32 v25, v16  }
0x41: {  	v14 =	vmax.f32 v14, v19;
	v16 =	vadd.s32 v20, v16  }
0x42: {  	v19 =	vperm.xlane v14, v0;
	_ =	sdelay $0x1  }
0x43: {  	v14 =	vmax.f32 v14, v19  }
0x44: {  	v19 =	vperm.xlane v14, v1  }
0x45: {  	v16 =	vld.idx.msk [tilespmem:v16+s15+$0x0], $0xffff  }
0x46: {  	v14 =	vmax.f32 v14, v19  }
0x47: {  	v19 =	vperm.xlane v14, v3;
	_ =	sdelay $0x1  }
0x48: {  	v14 =	vmax.f32 v14, v19  }
0x49: {  	v19 =	vperm.xlane v14, v4;
	v20 =	vadd.f32 v16, v21  }
0x4a: {  	v24 =	vadd.f32 v16, v27;
	v18 =	vadd.f32 v16, v18  }
0x4b: {  	v23 =	vadd.f32 v16, v23;
	v25 =	vadd.f32 v16, v17;
	v19 =	vmax.f32 v14, v19  }
0x4c: {  	v17 =	vimm.s32 $0x0;
	v14 =	vimm.f32 $0.0e+00;
	v21 =	vadd.f32 v19, v16  }
0x4d: {  	v19 =	vadd.f32 v16, v22;
	v20 =	vnsel vm4, $0xF149F2CA, v20;
	v22 =	vnsel vm7, $0xF149F2CA, v24  }
0x4e: {  	v18 =	vnsel vm6, $0xF149F2CA, v18;
	vm6 =	veq.f32 v20, v21;
	vm4 =	veq.f32 v22, v21  }
0x4f: {  	v19 =	vnsel vm5, $0xF149F2CA, v19;
	vm5 =	veq.f32 v18, v21;
	v22 =	vadd.f32 v16, v15  }
0x50: {  	v15 =	vimm.s32 $0x0;
	v16 =	vimm.s32 $0x0;
	v18 =	vnsel vm4, $0x2710, v5  }
0x51: {  	s10 =	simm.s32 $0x0;
	s11 =	simm.s32 $0x1;
	v20 =	vimm.s32 $0x0;
	vm4 =	veq.f32 v19, v21;
	v18 =	vsel vm6, v6, v18  }
0x52: {  	s9 =	simm.s32 $0x0;
	s8 =	simm.s32 $0x0;
	s12 =	simm.s32 $0xA0;
	v19 =	vimm.s32 $0x0;
	v24 =	vsel vm5, v7, v18;
	v18 =	vimm.s32 $0x0  }
.LBB2_3:
0x53: {  	p0 =	sne.s32 s11, $0xC7;
	v23 =	vnsel vm3, $0xF149F2CA, v23;
	s3 =	sadd.s32 $0x70, s3;
	s10 =	sadd.s32 $0x70, s10  }
0x54: {  	s28 =	smov.u32 s11;
	s11 =	sadd.s32 $0x1, s11;
	v25 =	vnsel vm2, $0xF149F2CA, v25;
	vm2 =	veq.f32 v23, v21;
	v23 =	vsel vm4, v8, v24  }
0x55: {  	v22 =	vnsel vm1, $0xF149F2CA, v22;
	vm1 =	veq.f32 v25, v21;
	v23 =	vsel vm2, v9, v23  }
0x56: {  	vm2 =	veq.f32 v22, v21;
	v21 =	vsel vm1, v10, v23  }
0x57: {  	v21 =	vsel vm2, v2, v21  }
0x58: {  	v22 =	vperm.xlane v21, v0;
	_ =	sdelay $0x1  }
0x59: {  	vm1 =	vlt.s32 v21, v22  }
0x5a: {  	v21 =	vsel vm1, v21, v22  }
0x5b: {  	v22 =	vperm.xlane v21, v1;
	_ =	sdelay $0x1  }
0x5c: {  	vm1 =	vlt.s32 v21, v22  }
0x5d: {  	v21 =	vsel vm1, v21, v22  }
0x5e: {  	v22 =	vperm.xlane v21, v3;
	_ =	sdelay $0x1  }
0x5f: {  	vm1 =	vlt.s32 v21, v22  }
0x60: {  	v21 =	vsel vm1, v21, v22  }
0x61: {  	v22 =	vperm.xlane v21, v4;
	_ =	sdelay $0x1  }
0x62: {  	vm1 =	vlt.s32 v21, v22  }
0x63: {  	v21 =	vsel vm1, v21, v22;
	v22 =	vmov s8;
	s8 =	smov.u32 s28  }
0x64: {  	v23 =	vadd.s32 s9, v21;
	vm1 =	veq.s32 v21, v2;
	vm2 =	veq.s32 v21, v10;
	s9 =	smov.u32 s10  }
0x65: {  	vm3 =	veq.s32 v21, v9;
	vm4 =	veq.s32 v21, v8;
	vm1 =	vmand vm1, vm0  }
0x66: {  	vm5 =	veq.s32 v21, v6;
	v13 =	vsel vm1, $0x1, v13;
	vm1 =	veq.s32 v21, v7  }
0x67: {  	v15 =	vsel vm3, $0x1, v15;
	v16 =	vsel vm1, $0x1, v16;
	vm1 =	veq.s32 v21, v5  }
0x68: {  	v17 =	vsel vm4, $0x1, v17;
	v18 =	vsel vm5, $0x1, v18;
	v19 =	vsel vm1, $0x1, v19  }
0x69: {  	v20 =	vsel vm2, $0x1, v20;
	v23 =	vld.idx.msk [tilespmem:v23+s6+$0x0], $0xffff  }
0x6a: {  	[tilespmem:v22+s23+$0x0] =	vst.idx.msk $0x1, v21  }
0x6b: {  	v22 =	vld [tilespmem:s3+$0xFFFFFFD0]  }
0x6c: {  	v21 =	vld [tilespmem:s12+$0x20]  }
0x6d: {  	v24 =	vld [tilespmem:s12+$0x0]  }
0x6e: {  	v25 =	vld [tilespmem:s12+$0xFFFFFFD0]  }
0x6f: {  	v14 =	vadd.f32 v23, v14;
	v26 =	vld [tilespmem:s12+$0x10]  }
0x70: {  	v23 =	vld [tilespmem:s12+$0xFFFFFFE0]  }
0x71: {  	vm6 =	veq.s32 v16, $0x0;
	vm7 =	veq.s32 v19, $0x0;
	v27 =	vld [tilespmem:s12+$0xFFFFFFF0];
	vm1 =	vge.f32 v21, v12  }
0x72: {  	vm3 =	veq.s32 v15, $0x0;
	vm4 =	veq.s32 v18, $0x0;
	vm2 =	veq.s32 v13, $0x0;
	v28 =	vld [tilespmem:s3+$0x0]  }
0x73: {  	vm8 =	veq.s32 v20, $0x0;
	vm4 =	vmand vm4, vm1;
	vm5 =	vge.f32 v25, v12;
	v25 =	vld [tilespmem:s3+$0xFFFFFFE0]  }
0x74: {  	vm9 =	veq.s32 v17, $0x0;
	vm1 =	vmand vm2, vm5;
	v29 =	vld [tilespmem:s3+$0xFFFFFFF0];
	vm5 =	vge.f32 v24, v12  }
0x75: {  	vm10 =	vge.f32 v26, v12;
	v21 =	vnsel vm1, $0xF149F2CA, v22;
	vm2 =	vge.f32 v23, v12  }
0x76: {  	vm5 =	vmand vm9, vm5;
	vm2 =	vmand vm8, vm2;
	vm8 =	vge.f32 v27, v12;
	v23 =	vld [tilespmem:s12+$0x30]  }
0x77: {  	v26 =	vmpcnt.ones.xlane vm1;
	vm3 =	vmand vm3, vm8;
	v24 =	vld [tilespmem:s3+$0x10];
	v27 =	vmpcnt.ones.xlane vm2  }
0x78: {  	v33 =	vmpcnt.ones.xlane vm5;
	v31 =	vnsel vm5, $0xF149F2CA, v28;
	v30 =	vnsel vm2, $0xF149F2CA, v25;
	v32 =	vld [tilespmem:s3+$0x20]  }
0x79: {  	vm6 =	vmand vm6, vm10;
	v36 =	vmpcnt.ones.xlane vm3;
	v34 =	vnsel vm3, $0xF149F2CA, v29;
	v35 =	vld [tilespmem:s3+$0x30]  }
0x7a: {  	v26 =	vadd.s32 v26, v27;
	v27 =	vmpcnt.ones.xlane vm6;
	v21 =	vmax.f32 v21, v30  }
0x7b: {  	vm8 =	vge.f32 v23, v12;
	v23 =	vadd.s32 v36, v26;
	v26 =	vmax.f32 v34, v31  }
0x7c: {  	v30 =	vnsel vm6, $0xF149F2CA, v24;
	vm7 =	vmand vm7, vm8;
	v23 =	vadd.s32 v33, v23  }
0x7d: {  	v31 =	vnsel vm4, $0xF149F2CA, v32;
	v23 =	vadd.s32 v27, v23;
	v27 =	vmpcnt.ones.xlane vm4  }
0x7e: {  	v34 =	vmpcnt.ones.xlane vm7;
	v33 =	vnsel vm7, $0xF149F2CA, v35;
	v30 =	vmax.f32 v30, v31  }
0x7f: {  	v21 =	vmax.f32 v21, v26;
	v23 =	vadd.s32 v27, v23;
	v26 =	vmax.f32 v30, v33  }
0x80: {  	v23 =	vadd.s32 v34, v23;
	v21 =	vmax.f32 v21, v26  }
0x81: {  	v26 =	vperm.xlane v21, v0;
	_ =	sdelay $0x1  }
0x82: {  	v21 =	vmax.f32 v21, v26  }
0x83: {  	v26 =	vperm.xlane v21, v1;
	_ =	sdelay $0x1  }
0x84: {  	v27 =	vld.idx.msk [tilespmem:v23+s15+$0x0], $0xffff;
	v21 =	vmax.f32 v21, v26  }
0x85: {  	v23 =	vperm.xlane v21, v3;
	_ =	sdelay $0x1  }
0x86: {  	v21 =	vmax.f32 v21, v23  }
0x87: {  	v23 =	vperm.xlane v21, v4;
	_ =	sdelay $0x1  }
0x88: {  	v26 =	vadd.f32 v27, v35;
	v21 =	vmax.f32 v21, v23;
	v23 =	vadd.f32 v27, v32  }
0x89: {  	v24 =	vadd.f32 v27, v24;
	v21 =	vadd.f32 v21, v27  }
.Ltmp0:
0x8a: {  	v28 =	vadd.f32 v27, v28;
	v26 =	vnsel vm7, $0xF149F2CA, v26;
	v23 =	vnsel vm4, $0xF149F2CA, v23;
	(pc) =	sbr.rel @p0 .LBB2_3-.Ltmp0, $4  }
0x8b: {  	v24 =	vnsel vm6, $0xF149F2CA, v24;
	vm6 =	veq.f32 v23, v21;
	vm4 =	veq.f32 v26, v21  }
0x8c: {  	v26 =	vnsel vm5, $0xF149F2CA, v28;
	vm5 =	veq.f32 v24, v21;
	v24 =	vnsel vm4, $0x2710, v5  }
0x8d: {  	v23 =	vadd.f32 v27, v29;
	vm4 =	veq.f32 v26, v21;
	v24 =	vsel vm6, v6, v24  }
0x8e: {  	s12 =	sadd.s32 $0x70, s12;
	v22 =	vadd.f32 v27, v22;
	v25 =	vadd.f32 v27, v25;
	v24 =	vsel vm5, v7, v24  }
0x8f: {  	v12 =	vnsel vm3, $0xF149F2CA, v23  }
0x90: {  	v13 =	vnsel vm2, $0xF149F2CA, v25;
	vm2 =	veq.f32 v12, v21;
	v12 =	vsel vm4, v8, v24  }
0x91: {  	v15 =	vnsel vm1, $0xF149F2CA, v22;
	vm1 =	veq.f32 v13, v21;
	v12 =	vsel vm2, v9, v12  }
0x92: {  	vm2 =	veq.f32 v15, v21;
	v12 =	vsel vm1, v10, v12  }
0x93: {  	v12 =	vsel vm2, v2, v12  }
0x94: {  	v13 =	vperm.xlane v12, v0;
	_ =	sdelay $0x1  }
0x95: {  	vm1 =	vlt.s32 v12, v13  }
0x96: {  	v12 =	vsel vm1, v12, v13  }
0x97: {  	v13 =	vperm.xlane v12, v1;
	_ =	sdelay $0x1  }
0x98: {  	vm1 =	vlt.s32 v12, v13  }
0x99: {  	v12 =	vsel vm1, v12, v13  }
0x9a: {  	v13 =	vperm.xlane v12, v3;
	_ =	sdelay $0x1  }
0x9b: {  	vm1 =	vlt.s32 v12, v13  }
0x9c: {  	v12 =	vsel vm1, v12, v13  }
0x9d: {  	v13 =	vperm.xlane v12, v4;
	_ =	sdelay $0x1  }
0x9e: {  	vm1 =	vlt.s32 v12, v13  }
0x9f: {  	v12 =	vsel vm1, v12, v13  }
0xa0: {  	v13 =	vadd.s32 s9, v12;
	_ =	sdelay $0x4  }
0xa1: {  	v13 =	vld.idx.msk [tilespmem:v13+s6+$0x0], $0xffff  }
0xa2: {  	v15 =	vmov s8;
	_ =	sdelay $0x2  }
0xa3: {  	s3 =	sshll.u32 s29, $0x5  }
0xa4: {  	s28 =	sshll.u32 s2, $0x5;
	s3 =	sand.u32 $0x60, s3;
	v13 =	vadd.f32 v13, v14  }
0xa5: {  	s8 =	sand.u32 $0x7F00, s28;
	s3 =	sadd.s32 s7, s3;
	[tilespmem:v15+s23+$0x0] =	vst.idx.msk $0x1, v12  }
0xa6: {  	s3 =	sadd.s32 s8, s3;
	[tilespmem:v11+s24+$0x0] =	vst.idx.msk $0x1, v13  }
0xa7: {  	[hbm4b:s3+s16] =	stream.strided.scatter [tilespmem:s23], [sflag:$0x5], $0x100, s17, s16, $0x38;
	[tilespmem:$0x16080] =	vst v63  }
0xa8: {  	_ =	swait.ge [sflag:s14], $0x100  }
0xa9: {  	s3 =	smin.u32 s2, $0x3FD;
	[sflag:s14] =	ssyncset.done $0x0  }
0xaa: {  	s2 =	sadd.s32 $0x2, s3;
	[sflag:s14] =	ssyncadd.s32 $0xFFFFFF00  }
0xab: {  	s8 =	sshrl.u32 s2, $0x3;
	_ =	swait.ge [sflag:s25], $0x5780  }
0xac: {  	s2 =	sshll.u32 s2, $0x7;
	s3 =	smul.u32 $0x2BC00, s8;
	[sflag:s25] =	ssyncset.done $0x0  }
0xad: {  	s2 =	sand.u32 $0x380, s2;
	[sflag:s25] =	ssyncadd.s32 $0xFFFFA880  }
0xae: {  	s9 =	sor.u32 $0x1, s4;
	s2 =	sor.u32 s2, s3;
	_ =	swait.ge [sflag:s26], $0x5780  }
0xaf: {  	v11 =	vmov s9;
	s10 =	sshrl.u32 s2, $0x3;
	[sflag:s26] =	ssyncset.done $0x0  }
0xb0: {  	s2 =	simm.s32 $0x0;
	s11 =	sadd.s32 s0, s10;
	[sflag:s26] =	ssyncadd.s32 $0xFFFFA880  }
0xb1: {  	[tilespmem:s2], [sflag:$0x1] =	stream.strided.gather [hbm4b:s11+s16], $0x5780, s17, s16, $0x38;
	[tilespmem:$0x16080] =	vst v63  }
0xb2: {  	s12 =	sadd.s32 s1, s10  }
0xb3: {  	[tilespmem:s18], [sflag:$0x2] =	stream.strided.gather [hbm4b:s12+s16], $0x5780, s17, s16, $0x38;
	[tilespmem:$0x16080] =	vst v63  }
0xb4: {  	s28 =	simm.s32 $0xAF30;
	v12 =	vld.idx.msk [tilespmem:v11+s13+$0x0], $0xffff  }
0xb5: {  	v14 =	vld [tilespmem:s28+$0x20]  }
0xb6: {  	v16 =	vld [tilespmem:s28+$0x0]  }
0xb7: {  	v17 =	vld [tilespmem:s28+$0xFFFFFFD0]  }
0xb8: {  	v18 =	vld [tilespmem:s28+$0x10]  }
0xb9: {  	v20 =	vld [tilespmem:s28+$0xFFFFFFF0]  }
0xba: {  	s3 =	simm.s32 $0x106B0;
	v19 =	vld [tilespmem:s28+$0xFFFFFFE0]  }
0xbb: {  	v15 =	vld [tilespmem:s3+$0xFFFFFFD0]  }
0xbc: {  	v13 =	vimm.s32 $0x0;
	v22 =	vld [tilespmem:s3+$0x0]  }
0xbd: {  	vm7 =	veq.s32 v13, $0x0;
	v23 =	vld [tilespmem:s3+$0xFFFFFFF0];
	vm1 =	vge.f32 v14, v12;
	vm2 =	vge.f32 v17, v12  }
0xbe: {  	v17 =	vld [tilespmem:s3+$0xFFFFFFE0];
	vm3 =	vge.f32 v16, v12;
	vm6 =	vge.f32 v18, v12;
	vm8 =	vge.f32 v20, v12  }
0xbf: {  	v16 =	vld [tilespmem:s28+$0x30];
	vm4 =	vmand vm7, vm1;
	vm1 =	vmand vm7, vm2;
	vm2 =	vge.f32 v19, v12  }
0xc0: {  	v21 =	vld [tilespmem:s3+$0x20];
	vm5 =	vmand vm7, vm3;
	vm3 =	vmand vm7, vm8;
	vm6 =	vmand vm7, vm6  }
0xc1: {  	v18 =	vld [tilespmem:s3+$0x10];
	v14 =	vnsel vm1, $0xF149F2CA, v15;
	vm2 =	vmand vm7, vm2;
	v19 =	vmpcnt.ones.xlane vm1  }
0xc2: {  	v25 =	vnsel vm5, $0xF149F2CA, v22;
	v26 =	vmpcnt.ones.xlane vm5;
	v20 =	vmpcnt.ones.xlane vm2  }
0xc3: {  	v27 =	vld [tilespmem:s3+$0x30];
	v28 =	vnsel vm3, $0xF149F2CA, v23;
	v29 =	vmpcnt.ones.xlane vm3;
	v24 =	vnsel vm2, $0xF149F2CA, v17  }
0xc4: {  	v19 =	vadd.s32 v19, v20;
	v20 =	vmpcnt.ones.xlane vm6;
	vm15 =	vge.f32 v16, v12  }
0xc5: {  	v14 =	vmax.f32 v14, v24;
	v16 =	vadd.s32 v29, v19;
	v19 =	vmax.f32 v28, v25  }
0xc6: {  	v24 =	vnsel vm6, $0xF149F2CA, v18;
	vm7 =	vmand vm7, vm15;
	v25 =	vnsel vm4, $0xF149F2CA, v21  }
0xc7: {  	v16 =	vadd.s32 v26, v16;
	v24 =	vmax.f32 v24, v25;
	v25 =	vmpcnt.ones.xlane vm4  }
0xc8: {  	v26 =	vnsel vm7, $0xF149F2CA, v27;
	v16 =	vadd.s32 v20, v16;
	v20 =	vmpcnt.ones.xlane vm7  }
0xc9: {  	v14 =	vmax.f32 v14, v19;
	v19 =	vmax.f32 v24, v26;
	v16 =	vadd.s32 v25, v16  }
0xca: {  	v14 =	vmax.f32 v14, v19;
	v16 =	vadd.s32 v20, v16  }
0xcb: {  	v19 =	vperm.xlane v14, v0;
	_ =	sdelay $0x1  }
0xcc: {  	v14 =	vmax.f32 v14, v19  }
0xcd: {  	v19 =	vperm.xlane v14, v1  }
0xce: {  	v16 =	vld.idx.msk [tilespmem:v16+s15+$0x0], $0xffff  }
0xcf: {  	v14 =	vmax.f32 v14, v19  }
0xd0: {  	v19 =	vperm.xlane v14, v3;
	_ =	sdelay $0x1  }
0xd1: {  	v14 =	vmax.f32 v14, v19  }
0xd2: {  	v19 =	vperm.xlane v14, v4;
	v20 =	vadd.f32 v16, v21  }
0xd3: {  	v24 =	vadd.f32 v16, v27;
	v18 =	vadd.f32 v16, v18  }
0xd4: {  	v23 =	vadd.f32 v16, v23;
	v25 =	vadd.f32 v16, v17;
	v19 =	vmax.f32 v14, v19  }
0xd5: {  	v17 =	vimm.s32 $0x0;
	v14 =	vimm.f32 $0.0e+00;
	v21 =	vadd.f32 v19, v16  }
0xd6: {  	v19 =	vadd.f32 v16, v22;
	v20 =	vnsel vm4, $0xF149F2CA, v20;
	v22 =	vnsel vm7, $0xF149F2CA, v24  }
0xd7: {  	v18 =	vnsel vm6, $0xF149F2CA, v18;
	vm6 =	veq.f32 v20, v21;
	vm4 =	veq.f32 v22, v21  }
0xd8: {  	v19 =	vnsel vm5, $0xF149F2CA, v19;
	vm5 =	veq.f32 v18, v21;
	v22 =	vadd.f32 v16, v15  }
0xd9: {  	v15 =	vimm.s32 $0x0;
	v16 =	vimm.s32 $0x0;
	v18 =	vnsel vm4, $0x2710, v5  }
0xda: {  	s4 =	simm.s32 $0x0;
	v20 =	vimm.s32 $0x0;
	vm4 =	veq.f32 v19, v21;
	v18 =	vsel vm6, v6, v18  }
0xdb: {  	s9 =	simm.s32 $0x1;
	s8 =	simm.s32 $0x0;
	s10 =	simm.s32 $0xAFA0;
	v19 =	vimm.s32 $0x0;
	v24 =	vsel vm5, v7, v18;
	v18 =	vimm.s32 $0x0  }
.LBB2_5:
0xdc: {  	p0 =	sne.s32 s9, $0xC7;
	v23 =	vnsel vm3, $0xF149F2CA, v23;
	s3 =	sadd.s32 $0x70, s3;
	s2 =	sadd.s32 $0x70, s2  }
0xdd: {  	s11 =	smov.u32 s9;
	s9 =	sadd.s32 $0x1, s9;
	v25 =	vnsel vm2, $0xF149F2CA, v25;
	vm2 =	veq.f32 v23, v21;
	v23 =	vsel vm4, v8, v24  }
0xde: {  	v22 =	vnsel vm1, $0xF149F2CA, v22;
	vm1 =	veq.f32 v25, v21;
	v23 =	vsel vm2, v9, v23  }
0xdf: {  	vm2 =	veq.f32 v22, v21;
	v21 =	vsel vm1, v10, v23  }
0xe0: {  	v21 =	vsel vm2, v2, v21  }
0xe1: {  	v22 =	vperm.xlane v21, v0;
	_ =	sdelay $0x1  }
0xe2: {  	vm1 =	vlt.s32 v21, v22  }
0xe3: {  	v21 =	vsel vm1, v21, v22  }
0xe4: {  	v22 =	vperm.xlane v21, v1;
	_ =	sdelay $0x1  }
0xe5: {  	vm1 =	vlt.s32 v21, v22  }
0xe6: {  	v21 =	vsel vm1, v21, v22  }
0xe7: {  	v22 =	vperm.xlane v21, v3;
	_ =	sdelay $0x1  }
0xe8: {  	vm1 =	vlt.s32 v21, v22  }
0xe9: {  	v21 =	vsel vm1, v21, v22  }
0xea: {  	v22 =	vperm.xlane v21, v4;
	_ =	sdelay $0x1  }
0xeb: {  	vm1 =	vlt.s32 v21, v22  }
0xec: {  	v21 =	vsel vm1, v21, v22;
	v22 =	vmov s4;
	s4 =	smov.u32 s11  }
0xed: {  	v23 =	vadd.s32 s8, v21;
	vm1 =	veq.s32 v21, v2;
	vm2 =	veq.s32 v21, v10;
	s8 =	smov.u32 s2  }
0xee: {  	vm3 =	veq.s32 v21, v9;
	vm4 =	veq.s32 v21, v8;
	vm1 =	vmand vm1, vm0  }
0xef: {  	vm5 =	veq.s32 v21, v6;
	v13 =	vsel vm1, $0x1, v13;
	vm1 =	veq.s32 v21, v7  }
0xf0: {  	v15 =	vsel vm3, $0x1, v15;
	v16 =	vsel vm1, $0x1, v16;
	vm1 =	veq.s32 v21, v5  }
0xf1: {  	v17 =	vsel vm4, $0x1, v17;
	v18 =	vsel vm5, $0x1, v18;
	v19 =	vsel vm1, $0x1, v19  }
0xf2: {  	v20 =	vsel vm2, $0x1, v20;
	v23 =	vld.idx.msk [tilespmem:v23+s21+$0x0], $0xffff  }
0xf3: {  	[tilespmem:v22+s23+$0x0] =	vst.idx.msk $0x1, v21  }
0xf4: {  	v22 =	vld [tilespmem:s3+$0xFFFFFFD0]  }
0xf5: {  	v21 =	vld [tilespmem:s10+$0x20]  }
0xf6: {  	v24 =	vld [tilespmem:s10+$0x0]  }
0xf7: {  	v25 =	vld [tilespmem:s10+$0xFFFFFFD0]  }
0xf8: {  	v14 =	vadd.f32 v23, v14;
	v26 =	vld [tilespmem:s10+$0x10]  }
0xf9: {  	v23 =	vld [tilespmem:s10+$0xFFFFFFE0]  }
0xfa: {  	vm6 =	veq.s32 v16, $0x0;
	vm7 =	veq.s32 v19, $0x0;
	v27 =	vld [tilespmem:s10+$0xFFFFFFF0];
	vm1 =	vge.f32 v21, v12  }
0xfb: {  	vm3 =	veq.s32 v15, $0x0;
	vm4 =	veq.s32 v18, $0x0;
	vm2 =	veq.s32 v13, $0x0;
	v28 =	vld [tilespmem:s3+$0x0]  }
0xfc: {  	vm8 =	veq.s32 v20, $0x0;
	vm4 =	vmand vm4, vm1;
	vm5 =	vge.f32 v25, v12;
	v25 =	vld [tilespmem:s3+$0xFFFFFFE0]  }
0xfd: {  	vm9 =	veq.s32 v17, $0x0;
	vm1 =	vmand vm2, vm5;
	v29 =	vld [tilespmem:s3+$0xFFFFFFF0];
	vm5 =	vge.f32 v24, v12  }
0xfe: {  	vm10 =	vge.f32 v26, v12;
	v21 =	vnsel vm1, $0xF149F2CA, v22;
	vm2 =	vge.f32 v23, v12  }
0xff: {  	vm5 =	vmand vm9, vm5;
	vm2 =	vmand vm8, vm2;
	vm8 =	vge.f32 v27, v12;
	v23 =	vld [tilespmem:s10+$0x30]  }
0x100: {  	v26 =	vmpcnt.ones.xlane vm1;
	vm3 =	vmand vm3, vm8;
	v24 =	vld [tilespmem:s3+$0x10];
	v27 =	vmpcnt.ones.xlane vm2  }
0x101: {  	v33 =	vmpcnt.ones.xlane vm5;
	v31 =	vnsel vm5, $0xF149F2CA, v28;
	v30 =	vnsel vm2, $0xF149F2CA, v25;
	v32 =	vld [tilespmem:s3+$0x20]  }
0x102: {  	vm6 =	vmand vm6, vm10;
	v36 =	vmpcnt.ones.xlane vm3;
	v34 =	vnsel vm3, $0xF149F2CA, v29;
	v35 =	vld [tilespmem:s3+$0x30]  }
0x103: {  	v26 =	vadd.s32 v26, v27;
	v27 =	vmpcnt.ones.xlane vm6;
	v21 =	vmax.f32 v21, v30  }
0x104: {  	vm8 =	vge.f32 v23, v12;
	v23 =	vadd.s32 v36, v26;
	v26 =	vmax.f32 v34, v31  }
0x105: {  	v30 =	vnsel vm6, $0xF149F2CA, v24;
	vm7 =	vmand vm7, vm8;
	v23 =	vadd.s32 v33, v23  }
0x106: {  	v31 =	vnsel vm4, $0xF149F2CA, v32;
	v23 =	vadd.s32 v27, v23;
	v27 =	vmpcnt.ones.xlane vm4  }
0x107: {  	v34 =	vmpcnt.ones.xlane vm7;
	v33 =	vnsel vm7, $0xF149F2CA, v35;
	v30 =	vmax.f32 v30, v31  }
0x108: {  	v21 =	vmax.f32 v21, v26;
	v23 =	vadd.s32 v27, v23;
	v26 =	vmax.f32 v30, v33  }
0x109: {  	v23 =	vadd.s32 v34, v23;
	v21 =	vmax.f32 v21, v26  }
0x10a: {  	v26 =	vperm.xlane v21, v0;
	_ =	sdelay $0x1  }
0x10b: {  	v21 =	vmax.f32 v21, v26  }
0x10c: {  	v26 =	vperm.xlane v21, v1;
	_ =	sdelay $0x1  }
0x10d: {  	v27 =	vld.idx.msk [tilespmem:v23+s15+$0x0], $0xffff;
	v21 =	vmax.f32 v21, v26  }
0x10e: {  	v23 =	vperm.xlane v21, v3;
	_ =	sdelay $0x1  }
0x10f: {  	v21 =	vmax.f32 v21, v23  }
0x110: {  	v23 =	vperm.xlane v21, v4;
	_ =	sdelay $0x1  }
0x111: {  	v26 =	vadd.f32 v27, v35;
	v21 =	vmax.f32 v21, v23;
	v23 =	vadd.f32 v27, v32  }
0x112: {  	v24 =	vadd.f32 v27, v24;
	v21 =	vadd.f32 v21, v27  }
.Ltmp1:
0x113: {  	v28 =	vadd.f32 v27, v28;
	v26 =	vnsel vm7, $0xF149F2CA, v26;
	v23 =	vnsel vm4, $0xF149F2CA, v23;
	(pc) =	sbr.rel @p0 .LBB2_5-.Ltmp1, $4  }
0x114: {  	v24 =	vnsel vm6, $0xF149F2CA, v24;
	vm6 =	veq.f32 v23, v21;
	vm4 =	veq.f32 v26, v21  }
0x115: {  	v26 =	vnsel vm5, $0xF149F2CA, v28;
	vm5 =	veq.f32 v24, v21;
	v24 =	vnsel vm4, $0x2710, v5  }
0x116: {  	v23 =	vadd.f32 v27, v29;
	vm4 =	veq.f32 v26, v21;
	v24 =	vsel vm6, v6, v24  }
0x117: {  	s10 =	sadd.s32 $0x70, s10;
	v22 =	vadd.f32 v27, v22;
	v25 =	vadd.f32 v27, v25;
	v24 =	vsel vm5, v7, v24  }
0x118: {  	v12 =	vnsel vm3, $0xF149F2CA, v23  }
0x119: {  	v61 =	vsel vm4, v8, v24;
	v13 =	vnsel vm2, $0xF149F2CA, v25;
	vm2 =	veq.f32 v12, v21  }
0x11a: {  	v15 =	vnsel vm1, $0xF149F2CA, v22;
	vm1 =	veq.f32 v13, v21;
	v12 =	vsel vm2, v9, v61  }
0x11b: {  	vm2 =	veq.f32 v15, v21;
	v12 =	vsel vm1, v10, v12  }
0x11c: {  	v12 =	vsel vm2, v2, v12  }
0x11d: {  	v62 =	vperm.xlane v12, v0;
	_ =	sdelay $0x1  }
0x11e: {  	vm1 =	vlt.s32 v12, v62  }
0x11f: {  	v12 =	vsel vm1, v12, v62  }
0x120: {  	v13 =	vperm.xlane v12, v1;
	_ =	sdelay $0x1  }
0x121: {  	vm1 =	vlt.s32 v12, v13  }
0x122: {  	v12 =	vsel vm1, v12, v13  }
0x123: {  	v13 =	vperm.xlane v12, v3;
	_ =	sdelay $0x1  }
0x124: {  	vm1 =	vlt.s32 v12, v13  }
0x125: {  	v12 =	vsel vm1, v12, v13  }
0x126: {  	v13 =	vperm.xlane v12, v4;
	_ =	sdelay $0x1  }
0x127: {  	vm1 =	vlt.s32 v12, v13  }
0x128: {  	v12 =	vsel vm1, v12, v13  }
0x129: {  	v13 =	vadd.s32 s8, v12;
	_ =	sdelay $0x4  }
0x12a: {  	v13 =	vld.idx.msk [tilespmem:v13+s21+$0x0], $0xffff  }
0x12b: {  	v63 =	vmov s4;
	_ =	sdelay $0x2  }
0x12c: {  	s2 =	sshll.u32 s30, $0xB  }
0x12d: {  	s29 =	sadd.s32 $0x1, s29;
	s2 =	sor.u32 s31, s2;
	v13 =	vadd.f32 v13, v14  }
0x12e: {  	p0 =	sne.s32 s29, $0x10;
	s2 =	sshrl.u32 s2, $0x3;
	[tilespmem:v63+s23+$0x0] =	vst.idx.msk $0x1, v12  }
.Ltmp2:
0x12f: {  	s2 =	sadd.s32 s7, s2;
	[tilespmem:v11+s24+$0x0] =	vst.idx.msk $0x1, v13;
	(pc) =	sbr.rel @p0 .LBB2_2-.Ltmp2, $4  }
0x130: {  	[hbm4b:s2+s16] =	stream.strided.scatter [tilespmem:s23], [sflag:$0x5], $0x100, s17, s16, $0x38;
	[tilespmem:$0x16080] =	vst v63  }
0x131: {  	_ =	swait.ge [sflag:s14], $0x100  }
0x132: {  	[sflag:s14] =	ssyncset.done $0x0  }
0x133: {  	[sflag:s14] =	ssyncadd.s32 $0xFFFFFF00  }
0x134: {  	_ =	swait.ge [sflag:s19], $0x5780  }
0x135: {  	[sflag:s19] =	ssyncset.done $0x0  }
0x136: {  	[sflag:s19] =	ssyncadd.s32 $0xFFFFA880  }
0x137: {  	_ =	swait.ge [sflag:s20], $0x5780  }
0x138: {  	[sflag:s20] =	ssyncset.done $0x0  }
0x139: {  	s2 =	rddreg [dreg:$0xa];
	[sflag:s20] =	ssyncadd.s32 $0xFFFFA880  }
0x13a: {  	[hbm4b:s2+s6] =	stream.linear.scatter [tilespmem:s24], [sflag:$0x5], $0x20, $0x38;
	[tilespmem:$0x16080] =	vst v63  }
0x13b: {  	_ =	swait.ge [sflag:s14], $0x20  }
0x13c: {  	s3 =	rddreg [dreg:$0xc]  }
0x13d: {  	s31 =	rddreg [dreg:$0xb];
	s3 =	sadd.s32 $0x1, s3  }
0x13e: {  	p0 =	sne.s32 s3, s31  }
.Ltmp3:
0x13f: {  	_ = 	snop;
	(pc) =	sbr.rel @p0 .LBB2_1-.Ltmp3, $3  }
0x140: {  	_ =	sdelay $0x1  }
0x141: {  	[sflag:s14] =	ssyncset.done $0x0  }
0x142: {  	[sflag:s14] =	ssyncadd.s32 $0xFFFFFFE0  }
0x143: {  	_ =	sfence.sel $0x180000  }
0x144: {  	[bflag:$0x0] =	sbarrier.arrive $0xFFFF  }
0x145: {  	_ =	strace $0x90000047  }
0x146: {  	s0 =	stileid.u32;
	[bflag:$0x2] =	sbarrier.arrive $0xFFFF  }
0x147: {  	p0 =	sne.s32 s0, $0x0;
	s0 =	rddreg [dreg:$0x6]  }
0x148: {  	s0 =	sadd.s32 @!p0 $0x100000, s0  }
0x149: {  	[sflag:s0] =	ssyncadd.tile.s32 @!p0 $0x1;
	_ =	shalt  }
.Lfunc_end2:
_tile_overlayer_lowered:
.L_overlay_start_2:
0x14a: {  	(tag) =	ssettag $0x2  }
0x14b: {  	s0 =	rddreg [dreg:$0x0];
	s2 =	stileid.u32  }
0x14c: {  	s1 =	rddreg [dreg:$0x1];
	p0 =	sne.s32 s2, $0x0  }
0x14d: {  	s3 =	rddreg [dreg:$0x2];
	[bflag:$0x3] =	sbarrier.arrive $0xFFFF;
	s2 =	simm.s32 @!p0 $0x1C05  }
0x14e: {  	[timem:s3], [sflag:s2] =	dma.local @!p0 [hbm:s0], s1  }
0x14f: {  	s0 =	simm.s32 @!p0 $0x5  }
0x150: {  	_ =	swait.ge @!p0 [sflag:s0], s1  }
0x151: {  	s1 =	ssub.s32 @!p0 $0x0, s1;
	[sflag:s0] =	ssyncset.done @!p0 $0x0  }
0x152: {  	[sflag:s0] =	ssyncadd.s32 @!p0 s1  }
0x153: {  	[bflag:$0x3] =	sbarrier.arrive $0xFFFF  }
0x154: {  	_ =	shalt  }

</sc_bundles>
